<compile_context>
chip_gen: v7x
topology: tpu7x:2x2x1
jax: 0.10.2.dev20260603
libtpu: 0.0.44.dev20260713+nightly
codegen_flags: <defaults>
</compile_context>

<pallas_src>
import functools

import jax
import jax.numpy as jnp
from jax import lax
from jax.experimental import pallas as pl
from jax.experimental.pallas import tpu as pltpu
from jax.experimental.pallas import tpu_sc as plsc

N = 100000
D = 32
E = 1600000
LAMBDA = 0.01

NC = 2
NS = 16
NW = NC * NS
EPW = E // NW
BLK = 400
NBLK = EPW // BLK
CHUNK = 80
NCHUNK = BLK // CHUNK
NGRP = BLK // 16


def _sqrt16(n):
    n = jnp.maximum(n, jnp.full((16,), 1e-30, jnp.float32))
    i = plsc.bitcast(n, jnp.int32)
    i = jnp.int32(0x5F3759DF) - lax.shift_right_logical(i, 1)
    x = plsc.bitcast(i, jnp.float32)
    for _ in range(3):
        x = x * (1.5 - 0.5 * n * x * x)
    return n * x


def _make_sc_kernel():
    mesh = plsc.VectorSubcoreMesh(core_axis_name="c", subcore_axis_name="s")

    @functools.partial(
        pl.kernel,
        mesh=mesh,
        compiler_params=pltpu.CompilerParams(
            needs_layout_passes=False, use_tc_tiling_on_sc=False),
        out_type=(
            jax.ShapeDtypeStruct((E,), jnp.float32),
            jax.ShapeDtypeStruct((2, NW, 16), jnp.float32),
        ),
        scratch_types=[
            pltpu.VMEM((2, BLK), jnp.int32),
            pltpu.VMEM((2, BLK), jnp.int32),
            pltpu.VMEM((2, BLK), jnp.float32),
            pltpu.VMEM((2 * BLK, D), jnp.float32),
            pltpu.VMEM((2 * BLK, D), jnp.float32),
            pltpu.VMEM((2, BLK), jnp.float32),
            pltpu.VMEM((2, 16), jnp.float32),
            pltpu.SemaphoreType.DMA,
            pltpu.SemaphoreType.DMA,
            pltpu.SemaphoreType.DMA,
            pltpu.SemaphoreType.DMA,
            pltpu.SemaphoreType.DMA,
            pltpu.SemaphoreType.DMA,
            pltpu.SemaphoreType.DMA,
        ],
    )
    def sc_kernel(src_hbm, dst_hbm, lab_hbm, tab_hbm, y_hbm, part_hbm,
                  idx_s, idx_d, lab_v, rows_s, rows_d, y_v, acc_v,
                  sem_s, sem_s2, sem_d, sem_d2, sem_i, sem_y0, sem_y1):
        wid = lax.axis_index("s") * NC + lax.axis_index("c")
        base = wid * EPW
        iota = lax.iota(jnp.int32, 16)
        zeros = jnp.zeros((16,), jnp.float32)
        zero16 = jnp.zeros((16,), jnp.int32)

        def fire_gathers(par):
            for j in range(NCHUNK):
                sl = pl.ds(j * CHUNK, CHUNK)
                roff = pl.ds(par * BLK + j * CHUNK, CHUNK)
                pltpu.async_copy(
                    tab_hbm.at[idx_s.at[par, sl]], rows_s.at[roff],
                    sem_s if j % 2 == 0 else sem_s2)
                pltpu.async_copy(
                    tab_hbm.at[idx_d.at[par, sl]], rows_d.at[roff],
                    sem_d if j % 2 == 0 else sem_d2)

        def fire_idx(par, k):
            off = pl.ds(base + k * BLK, BLK)
            pltpu.async_copy(src_hbm.at[off], idx_s.at[par], sem_i)
            pltpu.async_copy(dst_hbm.at[off], idx_d.at[par], sem_i)

        def drain_rows(par):
            del par
            pltpu.make_async_copy(
                tab_hbm.at[pl.ds(0, 3 * CHUNK)], rows_s.at[pl.ds(0, 3 * CHUNK)],
                sem_s).wait()
            pltpu.make_async_copy(
                tab_hbm.at[pl.ds(0, 2 * CHUNK)], rows_s.at[pl.ds(0, 2 * CHUNK)],
                sem_s2).wait()
            pltpu.make_async_copy(
                tab_hbm.at[pl.ds(0, 3 * CHUNK)], rows_d.at[pl.ds(0, 3 * CHUNK)],
                sem_d).wait()
            pltpu.make_async_copy(
                tab_hbm.at[pl.ds(0, 2 * CHUNK)], rows_d.at[pl.ds(0, 2 * CHUNK)],
                sem_d2).wait()

        def drain_idx():
            pltpu.make_async_copy(
                src_hbm.at[pl.ds(0, BLK)], idx_s.at[0], sem_i).wait()
            pltpu.make_async_copy(
                dst_hbm.at[pl.ds(0, BLK)], idx_d.at[0], sem_i).wait()
            pltpu.make_async_copy(
                lab_hbm.at[pl.ds(0, BLK)], lab_v.at[0], sem_i).wait()

        pltpu.sync_copy(src_hbm.at[pl.ds(base, BLK)], idx_s.at[0])
        pltpu.sync_copy(dst_hbm.at[pl.ds(base, BLK)], idx_d.at[0])
        pltpu.sync_copy(lab_hbm.at[pl.ds(base, BLK)], lab_v.at[0])
        fire_gathers(0)
        fire_idx(1, 1)
        pltpu.async_copy(lab_hbm.at[pl.ds(base + BLK, BLK)], lab_v.at[1],
                         sem_i)

        def block_body(k, acc):
            a_sse, a_nrm = acc
            par = k & 1
            nxt = 1 - par
            off = base + k * BLK

            drain_rows(par)

            @pl.when(k < NBLK - 1)
            def _():
                drain_idx()
                fire_gathers(nxt)

            @pl.when(k < NBLK - 2)
            def _():
                fire_idx(par, k + 2)

            @pl.when(jnp.logical_and(k >= 2, par == 0))
            def _():
                pltpu.make_async_copy(
                    y_v.at[0], y_hbm.at[pl.ds(base, BLK)], sem_y0).wait()

            @pl.when(jnp.logical_and(k >= 2, par == 1))
            def _():
                pltpu.make_async_copy(
                    y_v.at[1], y_hbm.at[pl.ds(base, BLK)], sem_y1).wait()

            def grp_body(g, acc):
                a_sse, a_nrm = acc
                row0 = g * 16
                ids = par * BLK + row0 + iota
                basev = ids * D + iota
                y = zeros
                n2 = zeros
                for d in range(D):
                    addr = jnp.bitwise_xor(basev, d)
                    a = plsc.load_gather(rows_s, [zero16, addr])
                    b = plsc.load_gather(rows_d, [zero16, addr])
                    y = y + a * b
                    n2 = n2 + a * a
                lab = lab_v[par, pl.ds(row0, 16)]
                y_v[par, pl.ds(row0, 16)] = y
                r = lab - y
                return (a_sse + r * r, a_nrm + _sqrt16(n2))

            acc = lax.fori_loop(0, NGRP, grp_body, (a_sse, a_nrm))

            @pl.when(par == 0)
            def _():
                pltpu.async_copy(y_v.at[0], y_hbm.at[pl.ds(off, BLK)], sem_y0)

            @pl.when(par == 1)
            def _():
                pltpu.async_copy(y_v.at[1], y_hbm.at[pl.ds(off, BLK)], sem_y1)

            @pl.when(k < NBLK - 2)
            def _():
                pltpu.async_copy(lab_hbm.at[pl.ds(off + 2 * BLK, BLK)],
                                 lab_v.at[par], sem_i)

            return acc

        a_sse, a_nrm = lax.fori_loop(0, NBLK, block_body, (zeros, zeros))

        pltpu.make_async_copy(
            y_v.at[0], y_hbm.at[pl.ds(base, BLK)], sem_y0).wait()
        pltpu.make_async_copy(
            y_v.at[1], y_hbm.at[pl.ds(base, BLK)], sem_y1).wait()

        acc_v[0, :] = a_sse
        acc_v[1, :] = a_nrm
        pltpu.sync_copy(acc_v.at[0], part_hbm.at[0, wid])
        pltpu.sync_copy(acc_v.at[1], part_hbm.at[1, wid])

    return sc_kernel


def _loss_body(p_ref, out_ref):
    s_sse = jnp.sum(p_ref[0:1, :])
    s_nrm = jnp.sum(p_ref[1:2, :])
    l = jnp.float32(E) * 0.5 * s_sse + jnp.float32(LAMBDA / 2.0) * s_nrm
    out_ref[...] = l.reshape(1, 1)


def kernel(edges, labels, embedding_state):
    edges = edges.astype(jnp.int32)
    src = edges[:, 0]
    dst = edges[:, 1]
    labels = labels.astype(jnp.float32)
    table = embedding_state.astype(jnp.float32)

    y, partials = _make_sc_kernel()(src, dst, labels, table)

    l_out = pl.pallas_call(
        _loss_body,
        out_shape=jax.ShapeDtypeStruct((1, 1), jnp.float32),
    )(partials.reshape(2, NW * 16))
    return (l_out[0, 0], y)

# --- scband reference (transcript-rebuilt; emitter-appended) ---
"""Pipeline reference for scband-mih-gnnembedding-test4-56633438765546 (READ-ONLY COPY).

The authoritative reference and input builder live on the scoring server;
editing this copy changes nothing except your own understanding.
"""

import jax, jax.numpy as jnp
import numpy as np

N = 100000
D = 32
E = 1600000
LAMBDA_1 = 0.01


def setup_inputs(seed: int = 0) -> dict:
    key = jax.random.key(seed)
    k1, k2, k3 = jax.random.split(key, 3)
    edges = jax.random.randint(k1, (E, 2), 0, N)
    labels = jax.random.uniform(k2, (E,), dtype=jnp.float32)
    embedding_state = jax.random.normal(k3, (N, D), dtype=jnp.float32)
    return {"edges": edges, "labels": labels, "embedding_state": embedding_state}


def reference(edges, labels, embedding_state):
    # src/dst extraction (faithful to [edge[0] for edge in edges] / [edge[1] ...])
    src = edges[:, 0]
    dst = edges[:, 1]
    # embedding gathers (torch index_select -> jnp.take)
    embedding_states_src = jnp.take(embedding_state, src, axis=0)
    embedding_states_dst = jnp.take(embedding_state, dst, axis=0)
    # elementwise product + row-sum -> per-edge score Y
    Y = jnp.sum(embedding_states_src * embedding_states_dst, axis=1)
    # scalar data-fit term broadcast-added to per-edge L2 norms (faithful to torch code)
    L_vec = 0.5 * jnp.sum((labels - Y) ** 2) + (LAMBDA_1 / 2.0) * jnp.linalg.norm(embedding_states_src, axis=1)
    L = jnp.sum(L_vec, axis=0)
    return (L, Y)

if __name__ == "__main__":
    import jax
    _d = setup_inputs()
    print(jax.jit(kernel)(*tuple(_d.values())))

</pallas_src>

<mosaic_0001>
#map = affine_map<(d0, d1) -> (0)>
#map1 = affine_map<(d0, d1) -> (0, 0)>
#map2 = affine_map<(d0, d1) -> (0, 0, 0)>
module attributes {stable_mosaic.version = 14 : i64} {
  func.func @sc_kernel(%arg0: i32, %arg1: i32, %arg2: memref<1600000xi32, #tpu.memory_space<hbm>>, %arg3: memref<1600000xi32, #tpu.memory_space<hbm>>, %arg4: memref<1600000xf32, #tpu.memory_space<hbm>>, %arg5: memref<100000x32xf32, #tpu.memory_space<hbm>>, %arg6: memref<1600000xf32, #tpu.memory_space<hbm>>, %arg7: memref<2x32x16xf32, #tpu.memory_space<hbm>>, %arg8: memref<2x400xi32, #tpu.memory_space<vmem>>, %arg9: memref<2x400xi32, #tpu.memory_space<vmem>>, %arg10: memref<2x400xf32, #tpu.memory_space<vmem>>, %arg11: memref<800x32xf32, #tpu.memory_space<vmem>>, %arg12: memref<800x32xf32, #tpu.memory_space<vmem>>, %arg13: memref<2x400xf32, #tpu.memory_space<vmem>>, %arg14: memref<2x16xf32, #tpu.memory_space<vmem>>, %arg15: memref<!tpu.dma_semaphore, #tpu.memory_space<semaphore_mem>>, %arg16: memref<!tpu.dma_semaphore, #tpu.memory_space<semaphore_mem>>, %arg17: memref<!tpu.dma_semaphore, #tpu.memory_space<semaphore_mem>>, %arg18: memref<!tpu.dma_semaphore, #tpu.memory_space<semaphore_mem>>, %arg19: memref<!tpu.dma_semaphore, #tpu.memory_space<semaphore_mem>>, %arg20: memref<!tpu.dma_semaphore, #tpu.memory_space<semaphore_mem>>, %arg21: memref<!tpu.dma_semaphore, #tpu.memory_space<semaphore_mem>>) attributes {dimension_semantics = [#tpu.dimension_semantics<core_parallel>, #tpu.dimension_semantics<subcore_parallel>], iteration_bounds = array<i64: 2, 16>, scalar_prefetch = 0 : i64, scratch_operands = 14 : i64, tpu.core_type = #tpu.core_type<sc_vector_subcore>, window_params = [{transform_indices = #map}, {transform_indices = #map}, {transform_indices = #map}, {transform_indices = #map1}, {transform_indices = #map}, {transform_indices = #map2}]} {
    %mul3A = arith.constant 2 : i32
    %mul3A_0 = arith.muli %arg1, %mul3A : i32
    %add3A = arith.addi %mul3A_0, %arg0 : i32
    %mul3A_1 = arith.constant 50000 : i32
    %mul3A_2 = arith.muli %add3A, %mul3A_1 : i32
    %iota3A = tpu.iota {dimensions = array<i32: 0>} : vector<16xi32>
    %broadcast_in_dim3A = arith.constant 0.000000e+00 : f32
    %broadcast_in_dim3A_3 = vector.broadcast %broadcast_in_dim3A : f32 to vector<16xf32>
    %broadcast_in_dim3A_4 = arith.constant 0 : i32
    %broadcast_in_dim3A_5 = vector.broadcast %broadcast_in_dim3A_4 : i32 to vector<16xi32>
    %run_scoped3A = arith.constant 0 : i32
    "tpu.region"() ({
      %run_scoped3A_171 = tpu.sem_alloc : memref<!tpu.dma_semaphore, #tpu.memory_space<semaphore_mem>>
      %dma_start3A_172 = arith.constant 0 : i32
      %dma_start3A_173 = tpu.memref_slice %arg8[%run_scoped3A, %dma_start3A_172] : memref<2x400xi32, #tpu.memory_space<vmem>> -> memref<1x400xi32, #tpu.memory_space<vmem>>
      %dma_start3A_174 = tpu.memref_squeeze %dma_start3A_173 : memref<1x400xi32, #tpu.memory_space<vmem>> -> memref<400xi32, #tpu.memory_space<vmem>>
      %dma_start3A_175 = tpu.memref_slice %arg2[%mul3A_2] : memref<1600000xi32, #tpu.memory_space<hbm>> -> memref<400xi32, #tpu.memory_space<hbm>>
      %dma_start3A_176 = arith.constant 0 : i32
      %dma_start3A_177 = tpu.memref_slice %arg8[%run_scoped3A, %dma_start3A_176] : memref<2x400xi32, #tpu.memory_space<vmem>> -> memref<1x400xi32, #tpu.memory_space<vmem>>
      %dma_start3A_178 = tpu.memref_squeeze %dma_start3A_177 : memref<1x400xi32, #tpu.memory_space<vmem>> -> memref<400xi32, #tpu.memory_space<vmem>>
      %dma_start3A_179 = tpu.memref_slice %arg2[%mul3A_2] : memref<1600000xi32, #tpu.memory_space<hbm>> -> memref<400xi32, #tpu.memory_space<hbm>>
      tpu.enqueue_dma source(%dma_start3A_179 : memref<400xi32, #tpu.memory_space<hbm>>) target(%dma_start3A_178 : memref<400xi32, #tpu.memory_space<vmem>>) target_semaphore(%run_scoped3A_171 : memref<!tpu.dma_semaphore, #tpu.memory_space<semaphore_mem>>)
      %dma_wait3A_180 = arith.constant 0 : i32
      %dma_wait3A_181 = tpu.memref_slice %arg8[%run_scoped3A, %dma_wait3A_180] : memref<2x400xi32, #tpu.memory_space<vmem>> -> memref<1x400xi32, #tpu.memory_space<vmem>>
      %dma_wait3A_182 = tpu.memref_squeeze %dma_wait3A_181 : memref<1x400xi32, #tpu.memory_space<vmem>> -> memref<400xi32, #tpu.memory_space<vmem>>
      %dma_wait3A_183 = tpu.memref_slice %arg2[%mul3A_2] : memref<1600000xi32, #tpu.memory_space<hbm>> -> memref<400xi32, #tpu.memory_space<hbm>>
      %dma_wait3A_184 = arith.constant 0 : i32
      %dma_wait3A_185 = tpu.memref_slice %arg8[%run_scoped3A, %dma_wait3A_184] : memref<2x400xi32, #tpu.memory_space<vmem>> -> memref<1x400xi32, #tpu.memory_space<vmem>>
      %dma_wait3A_186 = tpu.memref_squeeze %dma_wait3A_185 : memref<1x400xi32, #tpu.memory_space<vmem>> -> memref<400xi32, #tpu.memory_space<vmem>>
      %dma_wait3A_187 = tpu.memref_slice %arg2[%mul3A_2] : memref<1600000xi32, #tpu.memory_space<hbm>> -> memref<400xi32, #tpu.memory_space<hbm>>
      tpu.wait_dma2 semaphore(%run_scoped3A_171 : memref<!tpu.dma_semaphore, #tpu.memory_space<semaphore_mem>>) src(%dma_wait3A_187 : memref<400xi32, #tpu.memory_space<hbm>>) dst(%dma_wait3A_186 : memref<400xi32, #tpu.memory_space<vmem>>)
      tpu.yield
    }) : () -> ()
    %run_scoped3A_6 = arith.constant 0 : i32
    "tpu.region"() ({
      %run_scoped3A_171 = tpu.sem_alloc : memref<!tpu.dma_semaphore, #tpu.memory_space<semaphore_mem>>
      %dma_start3A_172 = arith.constant 0 : i32
      %dma_start3A_173 = tpu.memref_slice %arg9[%run_scoped3A_6, %dma_start3A_172] : memref<2x400xi32, #tpu.memory_space<vmem>> -> memref<1x400xi32, #tpu.memory_space<vmem>>
      %dma_start3A_174 = tpu.memref_squeeze %dma_start3A_173 : memref<1x400xi32, #tpu.memory_space<vmem>> -> memref<400xi32, #tpu.memory_space<vmem>>
      %dma_start3A_175 = tpu.memref_slice %arg3[%mul3A_2] : memref<1600000xi32, #tpu.memory_space<hbm>> -> memref<400xi32, #tpu.memory_space<hbm>>
      %dma_start3A_176 = arith.constant 0 : i32
      %dma_start3A_177 = tpu.memref_slice %arg9[%run_scoped3A_6, %dma_start3A_176] : memref<2x400xi32, #tpu.memory_space<vmem>> -> memref<1x400xi32, #tpu.memory_space<vmem>>
      %dma_start3A_178 = tpu.memref_squeeze %dma_start3A_177 : memref<1x400xi32, #tpu.memory_space<vmem>> -> memref<400xi32, #tpu.memory_space<vmem>>
      %dma_start3A_179 = tpu.memref_slice %arg3[%mul3A_2] : memref<1600000xi32, #tpu.memory_space<hbm>> -> memref<400xi32, #tpu.memory_space<hbm>>
      tpu.enqueue_dma source(%dma_start3A_179 : memref<400xi32, #tpu.memory_space<hbm>>) target(%dma_start3A_178 : memref<400xi32, #tpu.memory_space<vmem>>) target_semaphore(%run_scoped3A_171 : memref<!tpu.dma_semaphore, #tpu.memory_space<semaphore_mem>>)
      %dma_wait3A_180 = arith.constant 0 : i32
      %dma_wait3A_181 = tpu.memref_slice %arg9[%run_scoped3A_6, %dma_wait3A_180] : memref<2x400xi32, #tpu.memory_space<vmem>> -> memref<1x400xi32, #tpu.memory_space<vmem>>
      %dma_wait3A_182 = tpu.memref_squeeze %dma_wait3A_181 : memref<1x400xi32, #tpu.memory_space<vmem>> -> memref<400xi32, #tpu.memory_space<vmem>>
      %dma_wait3A_183 = tpu.memref_slice %arg3[%mul3A_2] : memref<1600000xi32, #tpu.memory_space<hbm>> -> memref<400xi32, #tpu.memory_space<hbm>>
      %dma_wait3A_184 = arith.constant 0 : i32
      %dma_wait3A_185 = tpu.memref_slice %arg9[%run_scoped3A_6, %dma_wait3A_184] : memref<2x400xi32, #tpu.memory_space<vmem>> -> memref<1x400xi32, #tpu.memory_space<vmem>>
      %dma_wait3A_186 = tpu.memref_squeeze %dma_wait3A_185 : memref<1x400xi32, #tpu.memory_space<vmem>> -> memref<400xi32, #tpu.memory_space<vmem>>
      %dma_wait3A_187 = tpu.memref_slice %arg3[%mul3A_2] : memref<1600000xi32, #tpu.memory_space<hbm>> -> memref<400xi32, #tpu.memory_space<hbm>>
      tpu.wait_dma2 semaphore(%run_scoped3A_171 : memref<!tpu.dma_semaphore, #tpu.memory_space<semaphore_mem>>) src(%dma_wait3A_187 : memref<400xi32, #tpu.memory_space<hbm>>) dst(%dma_wait3A_186 : memref<400xi32, #tpu.memory_space<vmem>>)
      tpu.yield
    }) : () -> ()
    %run_scoped3A_7 = arith.constant 0 : i32
    "tpu.region"() ({
      %run_scoped3A_171 = tpu.sem_alloc : memref<!tpu.dma_semaphore, #tpu.memory_space<semaphore_mem>>
      %dma_start3A_172 = arith.constant 0 : i32
      %dma_start3A_173 = tpu.memref_slice %arg10[%run_scoped3A_7, %dma_start3A_172] : memref<2x400xf32, #tpu.memory_space<vmem>> -> memref<1x400xf32, #tpu.memory_space<vmem>>
      %dma_start3A_174 = tpu.memref_squeeze %dma_start3A_173 : memref<1x400xf32, #tpu.memory_space<vmem>> -> memref<400xf32, #tpu.memory_space<vmem>>
      %dma_start3A_175 = tpu.memref_slice %arg4[%mul3A_2] : memref<1600000xf32, #tpu.memory_space<hbm>> -> memref<400xf32, #tpu.memory_space<hbm>>
      %dma_start3A_176 = arith.constant 0 : i32
      %dma_start3A_177 = tpu.memref_slice %arg10[%run_scoped3A_7, %dma_start3A_176] : memref<2x400xf32, #tpu.memory_space<vmem>> -> memref<1x400xf32, #tpu.memory_space<vmem>>
      %dma_start3A_178 = tpu.memref_squeeze %dma_start3A_177 : memref<1x400xf32, #tpu.memory_space<vmem>> -> memref<400xf32, #tpu.memory_space<vmem>>
      %dma_start3A_179 = tpu.memref_slice %arg4[%mul3A_2] : memref<1600000xf32, #tpu.memory_space<hbm>> -> memref<400xf32, #tpu.memory_space<hbm>>
      tpu.enqueue_dma source(%dma_start3A_179 : memref<400xf32, #tpu.memory_space<hbm>>) target(%dma_start3A_178 : memref<400xf32, #tpu.memory_space<vmem>>) target_semaphore(%run_scoped3A_171 : memref<!tpu.dma_semaphore, #tpu.memory_space<semaphore_mem>>)
      %dma_wait3A_180 = arith.constant 0 : i32
      %dma_wait3A_181 = tpu.memref_slice %arg10[%run_scoped3A_7, %dma_wait3A_180] : memref<2x400xf32, #tpu.memory_space<vmem>> -> memref<1x400xf32, #tpu.memory_space<vmem>>
      %dma_wait3A_182 = tpu.memref_squeeze %dma_wait3A_181 : memref<1x400xf32, #tpu.memory_space<vmem>> -> memref<400xf32, #tpu.memory_space<vmem>>
      %dma_wait3A_183 = tpu.memref_slice %arg4[%mul3A_2] : memref<1600000xf32, #tpu.memory_space<hbm>> -> memref<400xf32, #tpu.memory_space<hbm>>
      %dma_wait3A_184 = arith.constant 0 : i32
      %dma_wait3A_185 = tpu.memref_slice %arg10[%run_scoped3A_7, %dma_wait3A_184] : memref<2x400xf32, #tpu.memory_space<vmem>> -> memref<1x400xf32, #tpu.memory_space<vmem>>
      %dma_wait3A_186 = tpu.memref_squeeze %dma_wait3A_185 : memref<1x400xf32, #tpu.memory_space<vmem>> -> memref<400xf32, #tpu.memory_space<vmem>>
      %dma_wait3A_187 = tpu.memref_slice %arg4[%mul3A_2] : memref<1600000xf32, #tpu.memory_space<hbm>> -> memref<400xf32, #tpu.memory_space<hbm>>
      tpu.wait_dma2 semaphore(%run_scoped3A_171 : memref<!tpu.dma_semaphore, #tpu.memory_space<semaphore_mem>>) src(%dma_wait3A_187 : memref<400xf32, #tpu.memory_space<hbm>>) dst(%dma_wait3A_186 : memref<400xf32, #tpu.memory_space<vmem>>)
      tpu.yield
    }) : () -> ()
    %dma_start3A = arith.constant 0 : i32
    %dma_start3A_8 = arith.constant 0 : i32
    %dma_start3A_9 = arith.constant 0 : i32
    %dma_start3A_10 = tpu.memref_slice %arg11[%dma_start3A_8, %dma_start3A_9] : memref<800x32xf32, #tpu.memory_space<vmem>> -> memref<80x32xf32, #tpu.memory_space<vmem>>
    %dma_start3A_11 = arith.constant 0 : i32
    %dma_start3A_12 = tpu.memref_slice %arg8[%dma_start3A, %dma_start3A_11] : memref<2x400xi32, #tpu.memory_space<vmem>> -> memref<1x80xi32, #tpu.memory_space<vmem>>
    %dma_start3A_13 = tpu.memref_squeeze %dma_start3A_12 : memref<1x80xi32, #tpu.memory_space<vmem>> -> memref<80xi32, #tpu.memory_space<vmem>>
    %dma_start3A_14 = arith.constant 0 : i32
    %dma_start3A_15 = arith.constant 0 : i32
    %dma_start3A_16 = tpu.memref_slice %arg5[%dma_start3A_14, %dma_start3A_15] : memref<100000x32xf32, #tpu.memory_space<hbm>> -> memref<100000x32xf32, #tpu.memory_space<hbm>>
    tpu.enqueue_indirect_dma source(%dma_start3A_16 : memref<100000x32xf32, #tpu.memory_space<hbm>>) target(%dma_start3A_10 : memref<80x32xf32, #tpu.memory_space<vmem>>) offsets(%dma_start3A_13 : memref<80xi32, #tpu.memory_space<vmem>>) semaphore(%arg15 : memref<!tpu.dma_semaphore, #tpu.memory_space<semaphore_mem>>)
    %dma_start3A_17 = arith.constant 0 : i32
    %dma_start3A_18 = arith.constant 0 : i32
    %dma_start3A_19 = arith.constant 0 : i32
    %dma_start3A_20 = tpu.memref_slice %arg12[%dma_start3A_18, %dma_start3A_19] : memref<800x32xf32, #tpu.memory_space<vmem>> -> memref<80x32xf32, #tpu.memory_space<vmem>>
    %dma_start3A_21 = arith.constant 0 : i32
    %dma_start3A_22 = tpu.memref_slice %arg9[%dma_start3A_17, %dma_start3A_21] : memref<2x400xi32, #tpu.memory_space<vmem>> -> memref<1x80xi32, #tpu.memory_space<vmem>>
    %dma_start3A_23 = tpu.memref_squeeze %dma_start3A_22 : memref<1x80xi32, #tpu.memory_space<vmem>> -> memref<80xi32, #tpu.memory_space<vmem>>
    %dma_start3A_24 = arith.constant 0 : i32
    %dma_start3A_25 = arith.constant 0 : i32
    %dma_start3A_26 = tpu.memref_slice %arg5[%dma_start3A_24, %dma_start3A_25] : memref<100000x32xf32, #tpu.memory_space<hbm>> -> memref<100000x32xf32, #tpu.memory_space<hbm>>
    tpu.enqueue_indirect_dma source(%dma_start3A_26 : memref<100000x32xf32, #tpu.memory_space<hbm>>) target(%dma_start3A_20 : memref<80x32xf32, #tpu.memory_space<vmem>>) offsets(%dma_start3A_23 : memref<80xi32, #tpu.memory_space<vmem>>) semaphore(%arg17 : memref<!tpu.dma_semaphore, #tpu.memory_space<semaphore_mem>>)
    %dma_start3A_27 = arith.constant 0 : i32
    %dma_start3A_28 = arith.constant 80 : i32
    %dma_start3A_29 = arith.constant 0 : i32
    %dma_start3A_30 = tpu.memref_slice %arg11[%dma_start3A_28, %dma_start3A_29] : memref<800x32xf32, #tpu.memory_space<vmem>> -> memref<80x32xf32, #tpu.memory_space<vmem>>
    %dma_start3A_31 = arith.constant 80 : i32
    %dma_start3A_32 = tpu.memref_slice %arg8[%dma_start3A_27, %dma_start3A_31] : memref<2x400xi32, #tpu.memory_space<vmem>> -> memref<1x80xi32, #tpu.memory_space<vmem>>
    %dma_start3A_33 = tpu.memref_squeeze %dma_start3A_32 : memref<1x80xi32, #tpu.memory_space<vmem>> -> memref<80xi32, #tpu.memory_space<vmem>>
    %dma_start3A_34 = arith.constant 0 : i32
    %dma_start3A_35 = arith.constant 0 : i32
    %dma_start3A_36 = tpu.memref_slice %arg5[%dma_start3A_34, %dma_start3A_35] : memref<100000x32xf32, #tpu.memory_space<hbm>> -> memref<100000x32xf32, #tpu.memory_space<hbm>>
    tpu.enqueue_indirect_dma source(%dma_start3A_36 : memref<100000x32xf32, #tpu.memory_space<hbm>>) target(%dma_start3A_30 : memref<80x32xf32, #tpu.memory_space<vmem>>) offsets(%dma_start3A_33 : memref<80xi32, #tpu.memory_space<vmem>>) semaphore(%arg16 : memref<!tpu.dma_semaphore, #tpu.memory_space<semaphore_mem>>)
    %dma_start3A_37 = arith.constant 0 : i32
    %dma_start3A_38 = arith.constant 80 : i32
    %dma_start3A_39 = arith.constant 0 : i32
    %dma_start3A_40 = tpu.memref_slice %arg12[%dma_start3A_38, %dma_start3A_39] : memref<800x32xf32, #tpu.memory_space<vmem>> -> memref<80x32xf32, #tpu.memory_space<vmem>>
    %dma_start3A_41 = arith.constant 80 : i32
    %dma_start3A_42 = tpu.memref_slice %arg9[%dma_start3A_37, %dma_start3A_41] : memref<2x400xi32, #tpu.memory_space<vmem>> -> memref<1x80xi32, #tpu.memory_space<vmem>>
    %dma_start3A_43 = tpu.memref_squeeze %dma_start3A_42 : memref<1x80xi32, #tpu.memory_space<vmem>> -> memref<80xi32, #tpu.memory_space<vmem>>
    %dma_start3A_44 = arith.constant 0 : i32
    %dma_start3A_45 = arith.constant 0 : i32
    %dma_start3A_46 = tpu.memref_slice %arg5[%dma_start3A_44, %dma_start3A_45] : memref<100000x32xf32, #tpu.memory_space<hbm>> -> memref<100000x32xf32, #tpu.memory_space<hbm>>
    tpu.enqueue_indirect_dma source(%dma_start3A_46 : memref<100000x32xf32, #tpu.memory_space<hbm>>) target(%dma_start3A_40 : memref<80x32xf32, #tpu.memory_space<vmem>>) offsets(%dma_start3A_43 : memref<80xi32, #tpu.memory_space<vmem>>) semaphore(%arg18 : memref<!tpu.dma_semaphore, #tpu.memory_space<semaphore_mem>>)
    %dma_start3A_47 = arith.constant 0 : i32
    %dma_start3A_48 = arith.constant 160 : i32
    %dma_start3A_49 = arith.constant 0 : i32
    %dma_start3A_50 = tpu.memref_slice %arg11[%dma_start3A_48, %dma_start3A_49] : memref<800x32xf32, #tpu.memory_space<vmem>> -> memref<80x32xf32, #tpu.memory_space<vmem>>
    %dma_start3A_51 = arith.constant 160 : i32
    %dma_start3A_52 = tpu.memref_slice %arg8[%dma_start3A_47, %dma_start3A_51] : memref<2x400xi32, #tpu.memory_space<vmem>> -> memref<1x80xi32, #tpu.memory_space<vmem>>
    %dma_start3A_53 = tpu.memref_squeeze %dma_start3A_52 : memref<1x80xi32, #tpu.memory_space<vmem>> -> memref<80xi32, #tpu.memory_space<vmem>>
    %dma_start3A_54 = arith.constant 0 : i32
    %dma_start3A_55 = arith.constant 0 : i32
    %dma_start3A_56 = tpu.memref_slice %arg5[%dma_start3A_54, %dma_start3A_55] : memref<100000x32xf32, #tpu.memory_space<hbm>> -> memref<100000x32xf32, #tpu.memory_space<hbm>>
    tpu.enqueue_indirect_dma source(%dma_start3A_56 : memref<100000x32xf32, #tpu.memory_space<hbm>>) target(%dma_start3A_50 : memref<80x32xf32, #tpu.memory_space<vmem>>) offsets(%dma_start3A_53 : memref<80xi32, #tpu.memory_space<vmem>>) semaphore(%arg15 : memref<!tpu.dma_semaphore, #tpu.memory_space<semaphore_mem>>)
    %dma_start3A_57 = arith.constant 0 : i32
    %dma_start3A_58 = arith.constant 160 : i32
    %dma_start3A_59 = arith.constant 0 : i32
    %dma_start3A_60 = tpu.memref_slice %arg12[%dma_start3A_58, %dma_start3A_59] : memref<800x32xf32, #tpu.memory_space<vmem>> -> memref<80x32xf32, #tpu.memory_space<vmem>>
    %dma_start3A_61 = arith.constant 160 : i32
    %dma_start3A_62 = tpu.memref_slice %arg9[%dma_start3A_57, %dma_start3A_61] : memref<2x400xi32, #tpu.memory_space<vmem>> -> memref<1x80xi32, #tpu.memory_space<vmem>>
    %dma_start3A_63 = tpu.memref_squeeze %dma_start3A_62 : memref<1x80xi32, #tpu.memory_space<vmem>> -> memref<80xi32, #tpu.memory_space<vmem>>
    %dma_start3A_64 = arith.constant 0 : i32
    %dma_start3A_65 = arith.constant 0 : i32
    %dma_start3A_66 = tpu.memref_slice %arg5[%dma_start3A_64, %dma_start3A_65] : memref<100000x32xf32, #tpu.memory_space<hbm>> -> memref<100000x32xf32, #tpu.memory_space<hbm>>
    tpu.enqueue_indirect_dma source(%dma_start3A_66 : memref<100000x32xf32, #tpu.memory_space<hbm>>) target(%dma_start3A_60 : memref<80x32xf32, #tpu.memory_space<vmem>>) offsets(%dma_start3A_63 : memref<80xi32, #tpu.memory_space<vmem>>) semaphore(%arg17 : memref<!tpu.dma_semaphore, #tpu.memory_space<semaphore_mem>>)
    %dma_start3A_67 = arith.constant 0 : i32
    %dma_start3A_68 = arith.constant 240 : i32
    %dma_start3A_69 = arith.constant 0 : i32
    %dma_start3A_70 = tpu.memref_slice %arg11[%dma_start3A_68, %dma_start3A_69] : memref<800x32xf32, #tpu.memory_space<vmem>> -> memref<80x32xf32, #tpu.memory_space<vmem>>
    %dma_start3A_71 = arith.constant 240 : i32
    %dma_start3A_72 = tpu.memref_slice %arg8[%dma_start3A_67, %dma_start3A_71] : memref<2x400xi32, #tpu.memory_space<vmem>> -> memref<1x80xi32, #tpu.memory_space<vmem>>
    %dma_start3A_73 = tpu.memref_squeeze %dma_start3A_72 : memref<1x80xi32, #tpu.memory_space<vmem>> -> memref<80xi32, #tpu.memory_space<vmem>>
    %dma_start3A_74 = arith.constant 0 : i32
    %dma_start3A_75 = arith.constant 0 : i32
    %dma_start3A_76 = tpu.memref_slice %arg5[%dma_start3A_74, %dma_start3A_75] : memref<100000x32xf32, #tpu.memory_space<hbm>> -> memref<100000x32xf32, #tpu.memory_space<hbm>>
    tpu.enqueue_indirect_dma source(%dma_start3A_76 : memref<100000x32xf32, #tpu.memory_space<hbm>>) target(%dma_start3A_70 : memref<80x32xf32, #tpu.memory_space<vmem>>) offsets(%dma_start3A_73 : memref<80xi32, #tpu.memory_space<vmem>>) semaphore(%arg16 : memref<!tpu.dma_semaphore, #tpu.memory_space<semaphore_mem>>)
    %dma_start3A_77 = arith.constant 0 : i32
    %dma_start3A_78 = arith.constant 240 : i32
    %dma_start3A_79 = arith.constant 0 : i32
    %dma_start3A_80 = tpu.memref_slice %arg12[%dma_start3A_78, %dma_start3A_79] : memref<800x32xf32, #tpu.memory_space<vmem>> -> memref<80x32xf32, #tpu.memory_space<vmem>>
    %dma_start3A_81 = arith.constant 240 : i32
    %dma_start3A_82 = tpu.memref_slice %arg9[%dma_start3A_77, %dma_start3A_81] : memref<2x400xi32, #tpu.memory_space<vmem>> -> memref<1x80xi32, #tpu.memory_space<vmem>>
    %dma_start3A_83 = tpu.memref_squeeze %dma_start3A_82 : memref<1x80xi32, #tpu.memory_space<vmem>> -> memref<80xi32, #tpu.memory_space<vmem>>
    %dma_start3A_84 = arith.constant 0 : i32
    %dma_start3A_85 = arith.constant 0 : i32
    %dma_start3A_86 = tpu.memref_slice %arg5[%dma_start3A_84, %dma_start3A_85] : memref<100000x32xf32, #tpu.memory_space<hbm>> -> memref<100000x32xf32, #tpu.memory_space<hbm>>
    tpu.enqueue_indirect_dma source(%dma_start3A_86 : memref<100000x32xf32, #tpu.memory_space<hbm>>) target(%dma_start3A_80 : memref<80x32xf32, #tpu.memory_space<vmem>>) offsets(%dma_start3A_83 : memref<80xi32, #tpu.memory_space<vmem>>) semaphore(%arg18 : memref<!tpu.dma_semaphore, #tpu.memory_space<semaphore_mem>>)
    %dma_start3A_87 = arith.constant 0 : i32
    %dma_start3A_88 = arith.constant 320 : i32
    %dma_start3A_89 = arith.constant 0 : i32
    %dma_start3A_90 = tpu.memref_slice %arg11[%dma_start3A_88, %dma_start3A_89] : memref<800x32xf32, #tpu.memory_space<vmem>> -> memref<80x32xf32, #tpu.memory_space<vmem>>
    %dma_start3A_91 = arith.constant 320 : i32
    %dma_start3A_92 = tpu.memref_slice %arg8[%dma_start3A_87, %dma_start3A_91] : memref<2x400xi32, #tpu.memory_space<vmem>> -> memref<1x80xi32, #tpu.memory_space<vmem>>
    %dma_start3A_93 = tpu.memref_squeeze %dma_start3A_92 : memref<1x80xi32, #tpu.memory_space<vmem>> -> memref<80xi32, #tpu.memory_space<vmem>>
    %dma_start3A_94 = arith.constant 0 : i32
    %dma_start3A_95 = arith.constant 0 : i32
    %dma_start3A_96 = tpu.memref_slice %arg5[%dma_start3A_94, %dma_start3A_95] : memref<100000x32xf32, #tpu.memory_space<hbm>> -> memref<100000x32xf32, #tpu.memory_space<hbm>>
    tpu.enqueue_indirect_dma source(%dma_start3A_96 : memref<100000x32xf32, #tpu.memory_space<hbm>>) target(%dma_start3A_90 : memref<80x32xf32, #tpu.memory_space<vmem>>) offsets(%dma_start3A_93 : memref<80xi32, #tpu.memory_space<vmem>>) semaphore(%arg15 : memref<!tpu.dma_semaphore, #tpu.memory_space<semaphore_mem>>)
    %dma_start3A_97 = arith.constant 0 : i32
    %dma_start3A_98 = arith.constant 320 : i32
    %dma_start3A_99 = arith.constant 0 : i32
    %dma_start3A_100 = tpu.memref_slice %arg12[%dma_start3A_98, %dma_start3A_99] : memref<800x32xf32, #tpu.memory_space<vmem>> -> memref<80x32xf32, #tpu.memory_space<vmem>>
    %dma_start3A_101 = arith.constant 320 : i32
    %dma_start3A_102 = tpu.memref_slice %arg9[%dma_start3A_97, %dma_start3A_101] : memref<2x400xi32, #tpu.memory_space<vmem>> -> memref<1x80xi32, #tpu.memory_space<vmem>>
    %dma_start3A_103 = tpu.memref_squeeze %dma_start3A_102 : memref<1x80xi32, #tpu.memory_space<vmem>> -> memref<80xi32, #tpu.memory_space<vmem>>
    %dma_start3A_104 = arith.constant 0 : i32
    %dma_start3A_105 = arith.constant 0 : i32
    %dma_start3A_106 = tpu.memref_slice %arg5[%dma_start3A_104, %dma_start3A_105] : memref<100000x32xf32, #tpu.memory_space<hbm>> -> memref<100000x32xf32, #tpu.memory_space<hbm>>
    tpu.enqueue_indirect_dma source(%dma_start3A_106 : memref<100000x32xf32, #tpu.memory_space<hbm>>) target(%dma_start3A_100 : memref<80x32xf32, #tpu.memory_space<vmem>>) offsets(%dma_start3A_103 : memref<80xi32, #tpu.memory_space<vmem>>) semaphore(%arg17 : memref<!tpu.dma_semaphore, #tpu.memory_space<semaphore_mem>>)
    %add3A_107 = arith.constant 400 : i32
    %add3A_108 = arith.addi %mul3A_2, %add3A_107 : i32
    %dma_start3A_109 = arith.constant 1 : i32
    %dma_start3A_110 = arith.constant 0 : i32
    %dma_start3A_111 = tpu.memref_slice %arg8[%dma_start3A_109, %dma_start3A_110] : memref<2x400xi32, #tpu.memory_space<vmem>> -> memref<1x400xi32, #tpu.memory_space<vmem>>
    %dma_start3A_112 = tpu.memref_squeeze %dma_start3A_111 : memref<1x400xi32, #tpu.memory_space<vmem>> -> memref<400xi32, #tpu.memory_space<vmem>>
    %dma_start3A_113 = tpu.memref_slice %arg2[%add3A_108] : memref<1600000xi32, #tpu.memory_space<hbm>> -> memref<400xi32, #tpu.memory_space<hbm>>
    %dma_start3A_114 = arith.constant 0 : i32
    %dma_start3A_115 = tpu.memref_slice %arg8[%dma_start3A_109, %dma_start3A_114] : memref<2x400xi32, #tpu.memory_space<vmem>> -> memref<1x400xi32, #tpu.memory_space<vmem>>
    %dma_start3A_116 = tpu.memref_squeeze %dma_start3A_115 : memref<1x400xi32, #tpu.memory_space<vmem>> -> memref<400xi32, #tpu.memory_space<vmem>>
    %dma_start3A_117 = tpu.memref_slice %arg2[%add3A_108] : memref<1600000xi32, #tpu.memory_space<hbm>> -> memref<400xi32, #tpu.memory_space<hbm>>
    tpu.enqueue_dma source(%dma_start3A_117 : memref<400xi32, #tpu.memory_space<hbm>>) target(%dma_start3A_116 : memref<400xi32, #tpu.memory_space<vmem>>) target_semaphore(%arg19 : memref<!tpu.dma_semaphore, #tpu.memory_space<semaphore_mem>>)
    %dma_start3A_118 = arith.constant 1 : i32
    %dma_start3A_119 = arith.constant 0 : i32
    %dma_start3A_120 = tpu.memref_slice %arg9[%dma_start3A_118, %dma_start3A_119] : memref<2x400xi32, #tpu.memory_space<vmem>> -> memref<1x400xi32, #tpu.memory_space<vmem>>
    %dma_start3A_121 = tpu.memref_squeeze %dma_start3A_120 : memref<1x400xi32, #tpu.memory_space<vmem>> -> memref<400xi32, #tpu.memory_space<vmem>>
    %dma_start3A_122 = tpu.memref_slice %arg3[%add3A_108] : memref<1600000xi32, #tpu.memory_space<hbm>> -> memref<400xi32, #tpu.memory_space<hbm>>
    %dma_start3A_123 = arith.constant 0 : i32
    %dma_start3A_124 = tpu.memref_slice %arg9[%dma_start3A_118, %dma_start3A_123] : memref<2x400xi32, #tpu.memory_space<vmem>> -> memref<1x400xi32, #tpu.memory_space<vmem>>
    %dma_start3A_125 = tpu.memref_squeeze %dma_start3A_124 : memref<1x400xi32, #tpu.memory_space<vmem>> -> memref<400xi32, #tpu.memory_space<vmem>>
    %dma_start3A_126 = tpu.memref_slice %arg3[%add3A_108] : memref<1600000xi32, #tpu.memory_space<hbm>> -> memref<400xi32, #tpu.memory_space<hbm>>
    tpu.enqueue_dma source(%dma_start3A_126 : memref<400xi32, #tpu.memory_space<hbm>>) target(%dma_start3A_125 : memref<400xi32, #tpu.memory_space<vmem>>) target_semaphore(%arg19 : memref<!tpu.dma_semaphore, #tpu.memory_space<semaphore_mem>>)
    %add3A_127 = arith.constant 400 : i32
    %add3A_128 = arith.addi %mul3A_2, %add3A_127 : i32
    %dma_start3A_129 = arith.constant 1 : i32
    %dma_start3A_130 = arith.constant 0 : i32
    %dma_start3A_131 = tpu.memref_slice %arg10[%dma_start3A_129, %dma_start3A_130] : memref<2x400xf32, #tpu.memory_space<vmem>> -> memref<1x400xf32, #tpu.memory_space<vmem>>
    %dma_start3A_132 = tpu.memref_squeeze %dma_start3A_131 : memref<1x400xf32, #tpu.memory_space<vmem>> -> memref<400xf32, #tpu.memory_space<vmem>>
    %dma_start3A_133 = tpu.memref_slice %arg4[%add3A_128] : memref<1600000xf32, #tpu.memory_space<hbm>> -> memref<400xf32, #tpu.memory_space<hbm>>
    %dma_start3A_134 = arith.constant 0 : i32
    %dma_start3A_135 = tpu.memref_slice %arg10[%dma_start3A_129, %dma_start3A_134] : memref<2x400xf32, #tpu.memory_space<vmem>> -> memref<1x400xf32, #tpu.memory_space<vmem>>
    %dma_start3A_136 = tpu.memref_squeeze %dma_start3A_135 : memref<1x400xf32, #tpu.memory_space<vmem>> -> memref<400xf32, #tpu.memory_space<vmem>>
    %dma_start3A_137 = tpu.memref_slice %arg4[%add3A_128] : memref<1600000xf32, #tpu.memory_space<hbm>> -> memref<400xf32, #tpu.memory_space<hbm>>
    tpu.enqueue_dma source(%dma_start3A_137 : memref<400xf32, #tpu.memory_space<hbm>>) target(%dma_start3A_136 : memref<400xf32, #tpu.memory_space<vmem>>) target_semaphore(%arg19 : memref<!tpu.dma_semaphore, #tpu.memory_space<semaphore_mem>>)
    %scan3A = arith.constant 0 : i32
    %scan3A_138 = arith.constant 125 : i32
    %scan3A_139 = arith.addi %scan3A, %scan3A_138 : i32
    %scan3A_140 = arith.constant 1 : i32
    %scan3A_141:2 = scf.for %scan3A_171 = %scan3A to %scan3A_139 step %scan3A_140 iter_args(%scan3A_172 = %broadcast_in_dim3A_3, %scan3A_173 = %broadcast_in_dim3A_3) -> (vector<16xf32>, vector<16xf32>)  : i32 {
      %and3A = arith.constant 1 : i32
      %and3A_174 = arith.andi %scan3A_171, %and3A : i32
      %sub3A = arith.constant 1 : i32
      %sub3A_175 = arith.subi %sub3A, %and3A_174 : i32
      %mul3A_176 = arith.constant 400 : i32
      %mul3A_177 = arith.muli %scan3A_171, %mul3A_176 : i32
      %add3A_178 = arith.addi %mul3A_2, %mul3A_177 : i32
      %dma_wait3A_179 = arith.constant 0 : i32
      %dma_wait3A_180 = arith.constant 0 : i32
      %dma_wait3A_181 = tpu.memref_slice %arg11[%dma_wait3A_179, %dma_wait3A_180] : memref<800x32xf32, #tpu.memory_space<vmem>> -> memref<240x32xf32, #tpu.memory_space<vmem>>
      %dma_wait3A_182 = arith.constant 0 : i32
      %dma_wait3A_183 = arith.constant 0 : i32
      %dma_wait3A_184 = tpu.memref_slice %arg5[%dma_wait3A_182, %dma_wait3A_183] : memref<100000x32xf32, #tpu.memory_space<hbm>> -> memref<240x32xf32, #tpu.memory_space<hbm>>
      %dma_wait3A_185 = arith.constant 0 : i32
      %dma_wait3A_186 = arith.constant 0 : i32
      %dma_wait3A_187 = tpu.memref_slice %arg11[%dma_wait3A_185, %dma_wait3A_186] : memref<800x32xf32, #tpu.memory_space<vmem>> -> memref<240x32xf32, #tpu.memory_space<vmem>>
      %dma_wait3A_188 = arith.constant 0 : i32
      %dma_wait3A_189 = arith.constant 0 : i32
      %dma_wait3A_190 = tpu.memref_slice %arg5[%dma_wait3A_188, %dma_wait3A_189] : memref<100000x32xf32, #tpu.memory_space<hbm>> -> memref<240x32xf32, #tpu.memory_space<hbm>>
      tpu.wait_dma2 semaphore(%arg15 : memref<!tpu.dma_semaphore, #tpu.memory_space<semaphore_mem>>) src(%dma_wait3A_190 : memref<240x32xf32, #tpu.memory_space<hbm>>) dst(%dma_wait3A_187 : memref<240x32xf32, #tpu.memory_space<vmem>>)
      %dma_wait3A_191 = arith.constant 0 : i32
      %dma_wait3A_192 = arith.constant 0 : i32
      %dma_wait3A_193 = tpu.memref_slice %arg11[%dma_wait3A_191, %dma_wait3A_192] : memref<800x32xf32, #tpu.memory_space<vmem>> -> memref<160x32xf32, #tpu.memory_space<vmem>>
      %dma_wait3A_194 = arith.constant 0 : i32
      %dma_wait3A_195 = arith.constant 0 : i32
      %dma_wait3A_196 = tpu.memref_slice %arg5[%dma_wait3A_194, %dma_wait3A_195] : memref<100000x32xf32, #tpu.memory_space<hbm>> -> memref<160x32xf32, #tpu.memory_space<hbm>>
      %dma_wait3A_197 = arith.constant 0 : i32
      %dma_wait3A_198 = arith.constant 0 : i32
      %dma_wait3A_199 = tpu.memref_slice %arg11[%dma_wait3A_197, %dma_wait3A_198] : memref<800x32xf32, #tpu.memory_space<vmem>> -> memref<160x32xf32, #tpu.memory_space<vmem>>
      %dma_wait3A_200 = arith.constant 0 : i32
      %dma_wait3A_201 = arith.constant 0 : i32
      %dma_wait3A_202 = tpu.memref_slice %arg5[%dma_wait3A_200, %dma_wait3A_201] : memref<100000x32xf32, #tpu.memory_space<hbm>> -> memref<160x32xf32, #tpu.memory_space<hbm>>
      tpu.wait_dma2 semaphore(%arg16 : memref<!tpu.dma_semaphore, #tpu.memory_space<semaphore_mem>>) src(%dma_wait3A_202 : memref<160x32xf32, #tpu.memory_space<hbm>>) dst(%dma_wait3A_199 : memref<160x32xf32, #tpu.memory_space<vmem>>)
      %dma_wait3A_203 = arith.constant 0 : i32
      %dma_wait3A_204 = arith.constant 0 : i32
      %dma_wait3A_205 = tpu.memref_slice %arg12[%dma_wait3A_203, %dma_wait3A_204] : memref<800x32xf32, #tpu.memory_space<vmem>> -> memref<240x32xf32, #tpu.memory_space<vmem>>
      %dma_wait3A_206 = arith.constant 0 : i32
      %dma_wait3A_207 = arith.constant 0 : i32
      %dma_wait3A_208 = tpu.memref_slice %arg5[%dma_wait3A_206, %dma_wait3A_207] : memref<100000x32xf32, #tpu.memory_space<hbm>> -> memref<240x32xf32, #tpu.memory_space<hbm>>
      %dma_wait3A_209 = arith.constant 0 : i32
      %dma_wait3A_210 = arith.constant 0 : i32
      %dma_wait3A_211 = tpu.memref_slice %arg12[%dma_wait3A_209, %dma_wait3A_210] : memref<800x32xf32, #tpu.memory_space<vmem>> -> memref<240x32xf32, #tpu.memory_space<vmem>>
      %dma_wait3A_212 = arith.constant 0 : i32
      %dma_wait3A_213 = arith.constant 0 : i32
      %dma_wait3A_214 = tpu.memref_slice %arg5[%dma_wait3A_212, %dma_wait3A_213] : memref<100000x32xf32, #tpu.memory_space<hbm>> -> memref<240x32xf32, #tpu.memory_space<hbm>>
      tpu.wait_dma2 semaphore(%arg17 : memref<!tpu.dma_semaphore, #tpu.memory_space<semaphore_mem>>) src(%dma_wait3A_214 : memref<240x32xf32, #tpu.memory_space<hbm>>) dst(%dma_wait3A_211 : memref<240x32xf32, #tpu.memory_space<vmem>>)
      %dma_wait3A_215 = arith.constant 0 : i32
      %dma_wait3A_216 = arith.constant 0 : i32
      %dma_wait3A_217 = tpu.memref_slice %arg12[%dma_wait3A_215, %dma_wait3A_216] : memref<800x32xf32, #tpu.memory_space<vmem>> -> memref<160x32xf32, #tpu.memory_space<vmem>>
      %dma_wait3A_218 = arith.constant 0 : i32
      %dma_wait3A_219 = arith.constant 0 : i32
      %dma_wait3A_220 = tpu.memref_slice %arg5[%dma_wait3A_218, %dma_wait3A_219] : memref<100000x32xf32, #tpu.memory_space<hbm>> -> memref<160x32xf32, #tpu.memory_space<hbm>>
      %dma_wait3A_221 = arith.constant 0 : i32
      %dma_wait3A_222 = arith.constant 0 : i32
      %dma_wait3A_223 = tpu.memref_slice %arg12[%dma_wait3A_221, %dma_wait3A_222] : memref<800x32xf32, #tpu.memory_space<vmem>> -> memref<160x32xf32, #tpu.memory_space<vmem>>
      %dma_wait3A_224 = arith.constant 0 : i32
      %dma_wait3A_225 = arith.constant 0 : i32
      %dma_wait3A_226 = tpu.memref_slice %arg5[%dma_wait3A_224, %dma_wait3A_225] : memref<100000x32xf32, #tpu.memory_space<hbm>> -> memref<160x32xf32, #tpu.memory_space<hbm>>
      tpu.wait_dma2 semaphore(%arg18 : memref<!tpu.dma_semaphore, #tpu.memory_space<semaphore_mem>>) src(%dma_wait3A_226 : memref<160x32xf32, #tpu.memory_space<hbm>>) dst(%dma_wait3A_223 : memref<160x32xf32, #tpu.memory_space<vmem>>)
      %lt3A = arith.constant 124 : i32
      %lt3A_227 = arith.cmpi slt, %scan3A_171, %lt3A : i32
      %convert_element_type3A = arith.extui %lt3A_227 : i1 to i32
      %cond3A = arith.constant 0 : i32
      %cond3A_228 = arith.cmpi ne, %convert_element_type3A, %cond3A : i32
      scf.if %cond3A_228 {
        %dma_wait3A_269 = arith.constant 0 : i32
        %dma_wait3A_270 = arith.constant 0 : i32
        %dma_wait3A_271 = tpu.memref_slice %arg8[%dma_wait3A_269, %dma_wait3A_270] : memref<2x400xi32, #tpu.memory_space<vmem>> -> memref<1x400xi32, #tpu.memory_space<vmem>>
        %dma_wait3A_272 = tpu.memref_squeeze %dma_wait3A_271 : memref<1x400xi32, #tpu.memory_space<vmem>> -> memref<400xi32, #tpu.memory_space<vmem>>
        %dma_wait3A_273 = arith.constant 0 : i32
        %dma_wait3A_274 = tpu.memref_slice %arg2[%dma_wait3A_273] : memref<1600000xi32, #tpu.memory_space<hbm>> -> memref<400xi32, #tpu.memory_space<hbm>>
        %dma_wait3A_275 = arith.constant 0 : i32
        %dma_wait3A_276 = tpu.memref_slice %arg8[%dma_wait3A_269, %dma_wait3A_275] : memref<2x400xi32, #tpu.memory_space<vmem>> -> memref<1x400xi32, #tpu.memory_space<vmem>>
        %dma_wait3A_277 = tpu.memref_squeeze %dma_wait3A_276 : memref<1x400xi32, #tpu.memory_space<vmem>> -> memref<400xi32, #tpu.memory_space<vmem>>
        %dma_wait3A_278 = arith.constant 0 : i32
        %dma_wait3A_279 = tpu.memref_slice %arg2[%dma_wait3A_278] : memref<1600000xi32, #tpu.memory_space<hbm>> -> memref<400xi32, #tpu.memory_space<hbm>>
        tpu.wait_dma2 semaphore(%arg19 : memref<!tpu.dma_semaphore, #tpu.memory_space<semaphore_mem>>) src(%dma_wait3A_279 : memref<400xi32, #tpu.memory_space<hbm>>) dst(%dma_wait3A_277 : memref<400xi32, #tpu.memory_space<vmem>>)
        %dma_wait3A_280 = arith.constant 0 : i32
        %dma_wait3A_281 = arith.constant 0 : i32
        %dma_wait3A_282 = tpu.memref_slice %arg9[%dma_wait3A_280, %dma_wait3A_281] : memref<2x400xi32, #tpu.memory_space<vmem>> -> memref<1x400xi32, #tpu.memory_space<vmem>>
        %dma_wait3A_283 = tpu.memref_squeeze %dma_wait3A_282 : memref<1x400xi32, #tpu.memory_space<vmem>> -> memref<400xi32, #tpu.memory_space<vmem>>
        %dma_wait3A_284 = arith.constant 0 : i32
        %dma_wait3A_285 = tpu.memref_slice %arg3[%dma_wait3A_284] : memref<1600000xi32, #tpu.memory_space<hbm>> -> memref<400xi32, #tpu.memory_space<hbm>>
        %dma_wait3A_286 = arith.constant 0 : i32
        %dma_wait3A_287 = tpu.memref_slice %arg9[%dma_wait3A_280, %dma_wait3A_286] : memref<2x400xi32, #tpu.memory_space<vmem>> -> memref<1x400xi32, #tpu.memory_space<vmem>>
        %dma_wait3A_288 = tpu.memref_squeeze %dma_wait3A_287 : memref<1x400xi32, #tpu.memory_space<vmem>> -> memref<400xi32, #tpu.memory_space<vmem>>
        %dma_wait3A_289 = arith.constant 0 : i32
        %dma_wait3A_290 = tpu.memref_slice %arg3[%dma_wait3A_289] : memref<1600000xi32, #tpu.memory_space<hbm>> -> memref<400xi32, #tpu.memory_space<hbm>>
        tpu.wait_dma2 semaphore(%arg19 : memref<!tpu.dma_semaphore, #tpu.memory_space<semaphore_mem>>) src(%dma_wait3A_290 : memref<400xi32, #tpu.memory_space<hbm>>) dst(%dma_wait3A_288 : memref<400xi32, #tpu.memory_space<vmem>>)
        %dma_wait3A_291 = arith.constant 0 : i32
        %dma_wait3A_292 = arith.constant 0 : i32
        %dma_wait3A_293 = tpu.memref_slice %arg10[%dma_wait3A_291, %dma_wait3A_292] : memref<2x400xf32, #tpu.memory_space<vmem>> -> memref<1x400xf32, #tpu.memory_space<vmem>>
        %dma_wait3A_294 = tpu.memref_squeeze %dma_wait3A_293 : memref<1x400xf32, #tpu.memory_space<vmem>> -> memref<400xf32, #tpu.memory_space<vmem>>
        %dma_wait3A_295 = arith.constant 0 : i32
        %dma_wait3A_296 = tpu.memref_slice %arg4[%dma_wait3A_295] : memref<1600000xf32, #tpu.memory_space<hbm>> -> memref<400xf32, #tpu.memory_space<hbm>>
        %dma_wait3A_297 = arith.constant 0 : i32
        %dma_wait3A_298 = tpu.memref_slice %arg10[%dma_wait3A_291, %dma_wait3A_297] : memref<2x400xf32, #tpu.memory_space<vmem>> -> memref<1x400xf32, #tpu.memory_space<vmem>>
        %dma_wait3A_299 = tpu.memref_squeeze %dma_wait3A_298 : memref<1x400xf32, #tpu.memory_space<vmem>> -> memref<400xf32, #tpu.memory_space<vmem>>
        %dma_wait3A_300 = arith.constant 0 : i32
        %dma_wait3A_301 = tpu.memref_slice %arg4[%dma_wait3A_300] : memref<1600000xf32, #tpu.memory_space<hbm>> -> memref<400xf32, #tpu.memory_space<hbm>>
        tpu.wait_dma2 semaphore(%arg19 : memref<!tpu.dma_semaphore, #tpu.memory_space<semaphore_mem>>) src(%dma_wait3A_301 : memref<400xf32, #tpu.memory_space<hbm>>) dst(%dma_wait3A_299 : memref<400xf32, #tpu.memory_space<vmem>>)
        %mul3A_302 = arith.constant 400 : i32
        %mul3A_303 = arith.muli %sub3A_175, %mul3A_302 : i32
        %add3A_304 = arith.constant 0 : i32
        %add3A_305 = arith.addi %mul3A_303, %add3A_304 : i32
        %dma_start3A_306 = arith.constant 0 : i32
        %dma_start3A_307 = tpu.memref_slice %arg11[%add3A_305, %dma_start3A_306] : memref<800x32xf32, #tpu.memory_space<vmem>> -> memref<80x32xf32, #tpu.memory_space<vmem>>
        %dma_start3A_308 = arith.constant 0 : i32
        %dma_start3A_309 = tpu.memref_slice %arg8[%sub3A_175, %dma_start3A_308] : memref<2x400xi32, #tpu.memory_space<vmem>> -> memref<1x80xi32, #tpu.memory_space<vmem>>
        %dma_start3A_310 = tpu.memref_squeeze %dma_start3A_309 : memref<1x80xi32, #tpu.memory_space<vmem>> -> memref<80xi32, #tpu.memory_space<vmem>>
        %dma_start3A_311 = arith.constant 0 : i32
        %dma_start3A_312 = arith.constant 0 : i32
        %dma_start3A_313 = tpu.memref_slice %arg5[%dma_start3A_311, %dma_start3A_312] : memref<100000x32xf32, #tpu.memory_space<hbm>> -> memref<100000x32xf32, #tpu.memory_space<hbm>>
        tpu.enqueue_indirect_dma source(%dma_start3A_313 : memref<100000x32xf32, #tpu.memory_space<hbm>>) target(%dma_start3A_307 : memref<80x32xf32, #tpu.memory_space<vmem>>) offsets(%dma_start3A_310 : memref<80xi32, #tpu.memory_space<vmem>>) semaphore(%arg15 : memref<!tpu.dma_semaphore, #tpu.memory_space<semaphore_mem>>)
        %dma_start3A_314 = arith.constant 0 : i32
        %dma_start3A_315 = tpu.memref_slice %arg12[%add3A_305, %dma_start3A_314] : memref<800x32xf32, #tpu.memory_space<vmem>> -> memref<80x32xf32, #tpu.memory_space<vmem>>
        %dma_start3A_316 = arith.constant 0 : i32
        %dma_start3A_317 = tpu.memref_slice %arg9[%sub3A_175, %dma_start3A_316] : memref<2x400xi32, #tpu.memory_space<vmem>> -> memref<1x80xi32, #tpu.memory_space<vmem>>
        %dma_start3A_318 = tpu.memref_squeeze %dma_start3A_317 : memref<1x80xi32, #tpu.memory_space<vmem>> -> memref<80xi32, #tpu.memory_space<vmem>>
        %dma_start3A_319 = arith.constant 0 : i32
        %dma_start3A_320 = arith.constant 0 : i32
        %dma_start3A_321 = tpu.memref_slice %arg5[%dma_start3A_319, %dma_start3A_320] : memref<100000x32xf32, #tpu.memory_space<hbm>> -> memref<100000x32xf32, #tpu.memory_space<hbm>>
        tpu.enqueue_indirect_dma source(%dma_start3A_321 : memref<100000x32xf32, #tpu.memory_space<hbm>>) target(%dma_start3A_315 : memref<80x32xf32, #tpu.memory_space<vmem>>) offsets(%dma_start3A_318 : memref<80xi32, #tpu.memory_space<vmem>>) semaphore(%arg17 : memref<!tpu.dma_semaphore, #tpu.memory_space<semaphore_mem>>)
        %mul3A_322 = arith.constant 400 : i32
        %mul3A_323 = arith.muli %sub3A_175, %mul3A_322 : i32
        %add3A_324 = arith.constant 80 : i32
        %add3A_325 = arith.addi %mul3A_323, %add3A_324 : i32
        %dma_start3A_326 = arith.constant 0 : i32
        %dma_start3A_327 = tpu.memref_slice %arg11[%add3A_325, %dma_start3A_326] : memref<800x32xf32, #tpu.memory_space<vmem>> -> memref<80x32xf32, #tpu.memory_space<vmem>>
        %dma_start3A_328 = arith.constant 80 : i32
        %dma_start3A_329 = tpu.memref_slice %arg8[%sub3A_175, %dma_start3A_328] : memref<2x400xi32, #tpu.memory_space<vmem>> -> memref<1x80xi32, #tpu.memory_space<vmem>>
        %dma_start3A_330 = tpu.memref_squeeze %dma_start3A_329 : memref<1x80xi32, #tpu.memory_space<vmem>> -> memref<80xi32, #tpu.memory_space<vmem>>
        %dma_start3A_331 = arith.constant 0 : i32
        %dma_start3A_332 = arith.constant 0 : i32
        %dma_start3A_333 = tpu.memref_slice %arg5[%dma_start3A_331, %dma_start3A_332] : memref<100000x32xf32, #tpu.memory_space<hbm>> -> memref<100000x32xf32, #tpu.memory_space<hbm>>
        tpu.enqueue_indirect_dma source(%dma_start3A_333 : memref<100000x32xf32, #tpu.memory_space<hbm>>) target(%dma_start3A_327 : memref<80x32xf32, #tpu.memory_space<vmem>>) offsets(%dma_start3A_330 : memref<80xi32, #tpu.memory_space<vmem>>) semaphore(%arg16 : memref<!tpu.dma_semaphore, #tpu.memory_space<semaphore_mem>>)
        %dma_start3A_334 = arith.constant 0 : i32
        %dma_start3A_335 = tpu.memref_slice %arg12[%add3A_325, %dma_start3A_334] : memref<800x32xf32, #tpu.memory_space<vmem>> -> memref<80x32xf32, #tpu.memory_space<vmem>>
        %dma_start3A_336 = arith.constant 80 : i32
        %dma_start3A_337 = tpu.memref_slice %arg9[%sub3A_175, %dma_start3A_336] : memref<2x400xi32, #tpu.memory_space<vmem>> -> memref<1x80xi32, #tpu.memory_space<vmem>>
        %dma_start3A_338 = tpu.memref_squeeze %dma_start3A_337 : memref<1x80xi32, #tpu.memory_space<vmem>> -> memref<80xi32, #tpu.memory_space<vmem>>
        %dma_start3A_339 = arith.constant 0 : i32
        %dma_start3A_340 = arith.constant 0 : i32
        %dma_start3A_341 = tpu.memref_slice %arg5[%dma_start3A_339, %dma_start3A_340] : memref<100000x32xf32, #tpu.memory_space<hbm>> -> memref<100000x32xf32, #tpu.memory_space<hbm>>
        tpu.enqueue_indirect_dma source(%dma_start3A_341 : memref<100000x32xf32, #tpu.memory_space<hbm>>) target(%dma_start3A_335 : memref<80x32xf32, #tpu.memory_space<vmem>>) offsets(%dma_start3A_338 : memref<80xi32, #tpu.memory_space<vmem>>) semaphore(%arg18 : memref<!tpu.dma_semaphore, #tpu.memory_space<semaphore_mem>>)
        %mul3A_342 = arith.constant 400 : i32
        %mul3A_343 = arith.muli %sub3A_175, %mul3A_342 : i32
        %add3A_344 = arith.constant 160 : i32
        %add3A_345 = arith.addi %mul3A_343, %add3A_344 : i32
        %dma_start3A_346 = arith.constant 0 : i32
        %dma_start3A_347 = tpu.memref_slice %arg11[%add3A_345, %dma_start3A_346] : memref<800x32xf32, #tpu.memory_space<vmem>> -> memref<80x32xf32, #tpu.memory_space<vmem>>
        %dma_start3A_348 = arith.constant 160 : i32
        %dma_start3A_349 = tpu.memref_slice %arg8[%sub3A_175, %dma_start3A_348] : memref<2x400xi32, #tpu.memory_space<vmem>> -> memref<1x80xi32, #tpu.memory_space<vmem>>
        %dma_start3A_350 = tpu.memref_squeeze %dma_start3A_349 : memref<1x80xi32, #tpu.memory_space<vmem>> -> memref<80xi32, #tpu.memory_space<vmem>>
        %dma_start3A_351 = arith.constant 0 : i32
        %dma_start3A_352 = arith.constant 0 : i32
        %dma_start3A_353 = tpu.memref_slice %arg5[%dma_start3A_351, %dma_start3A_352] : memref<100000x32xf32, #tpu.memory_space<hbm>> -> memref<100000x32xf32, #tpu.memory_space<hbm>>
        tpu.enqueue_indirect_dma source(%dma_start3A_353 : memref<100000x32xf32, #tpu.memory_space<hbm>>) target(%dma_start3A_347 : memref<80x32xf32, #tpu.memory_space<vmem>>) offsets(%dma_start3A_350 : memref<80xi32, #tpu.memory_space<vmem>>) semaphore(%arg15 : memref<!tpu.dma_semaphore, #tpu.memory_space<semaphore_mem>>)
        %dma_start3A_354 = arith.constant 0 : i32
        %dma_start3A_355 = tpu.memref_slice %arg12[%add3A_345, %dma_start3A_354] : memref<800x32xf32, #tpu.memory_space<vmem>> -> memref<80x32xf32, #tpu.memory_space<vmem>>
        %dma_start3A_356 = arith.constant 160 : i32
        %dma_start3A_357 = tpu.memref_slice %arg9[%sub3A_175, %dma_start3A_356] : memref<2x400xi32, #tpu.memory_space<vmem>> -> memref<1x80xi32, #tpu.memory_space<vmem>>
        %dma_start3A_358 = tpu.memref_squeeze %dma_start3A_357 : memref<1x80xi32, #tpu.memory_space<vmem>> -> memref<80xi32, #tpu.memory_space<vmem>>
        %dma_start3A_359 = arith.constant 0 : i32
        %dma_start3A_360 = arith.constant 0 : i32
        %dma_start3A_361 = tpu.memref_slice %arg5[%dma_start3A_359, %dma_start3A_360] : memref<100000x32xf32, #tpu.memory_space<hbm>> -> memref<100000x32xf32, #tpu.memory_space<hbm>>
        tpu.enqueue_indirect_dma source(%dma_start3A_361 : memref<100000x32xf32, #tpu.memory_space<hbm>>) target(%dma_start3A_355 : memref<80x32xf32, #tpu.memory_space<vmem>>) offsets(%dma_start3A_358 : memref<80xi32, #tpu.memory_space<vmem>>) semaphore(%arg17 : memref<!tpu.dma_semaphore, #tpu.memory_space<semaphore_mem>>)
        %mul3A_362 = arith.constant 400 : i32
        %mul3A_363 = arith.muli %sub3A_175, %mul3A_362 : i32
        %add3A_364 = arith.constant 240 : i32
        %add3A_365 = arith.addi %mul3A_363, %add3A_364 : i32
        %dma_start3A_366 = arith.constant 0 : i32
        %dma_start3A_367 = tpu.memref_slice %arg11[%add3A_365, %dma_start3A_366] : memref<800x32xf32, #tpu.memory_space<vmem>> -> memref<80x32xf32, #tpu.memory_space<vmem>>
        %dma_start3A_368 = arith.constant 240 : i32
        %dma_start3A_369 = tpu.memref_slice %arg8[%sub3A_175, %dma_start3A_368] : memref<2x400xi32, #tpu.memory_space<vmem>> -> memref<1x80xi32, #tpu.memory_space<vmem>>
        %dma_start3A_370 = tpu.memref_squeeze %dma_start3A_369 : memref<1x80xi32, #tpu.memory_space<vmem>> -> memref<80xi32, #tpu.memory_space<vmem>>
        %dma_start3A_371 = arith.constant 0 : i32
        %dma_start3A_372 = arith.constant 0 : i32
        %dma_start3A_373 = tpu.memref_slice %arg5[%dma_start3A_371, %dma_start3A_372] : memref<100000x32xf32, #tpu.memory_space<hbm>> -> memref<100000x32xf32, #tpu.memory_space<hbm>>
        tpu.enqueue_indirect_dma source(%dma_start3A_373 : memref<100000x32xf32, #tpu.memory_space<hbm>>) target(%dma_start3A_367 : memref<80x32xf32, #tpu.memory_space<vmem>>) offsets(%dma_start3A_370 : memref<80xi32, #tpu.memory_space<vmem>>) semaphore(%arg16 : memref<!tpu.dma_semaphore, #tpu.memory_space<semaphore_mem>>)
        %dma_start3A_374 = arith.constant 0 : i32
        %dma_start3A_375 = tpu.memref_slice %arg12[%add3A_365, %dma_start3A_374] : memref<800x32xf32, #tpu.memory_space<vmem>> -> memref<80x32xf32, #tpu.memory_space<vmem>>
        %dma_start3A_376 = arith.constant 240 : i32
        %dma_start3A_377 = tpu.memref_slice %arg9[%sub3A_175, %dma_start3A_376] : memref<2x400xi32, #tpu.memory_space<vmem>> -> memref<1x80xi32, #tpu.memory_space<vmem>>
        %dma_start3A_378 = tpu.memref_squeeze %dma_start3A_377 : memref<1x80xi32, #tpu.memory_space<vmem>> -> memref<80xi32, #tpu.memory_space<vmem>>
        %dma_start3A_379 = arith.constant 0 : i32
        %dma_start3A_380 = arith.constant 0 : i32
        %dma_start3A_381 = tpu.memref_slice %arg5[%dma_start3A_379, %dma_start3A_380] : memref<100000x32xf32, #tpu.memory_space<hbm>> -> memref<100000x32xf32, #tpu.memory_space<hbm>>
        tpu.enqueue_indirect_dma source(%dma_start3A_381 : memref<100000x32xf32, #tpu.memory_space<hbm>>) target(%dma_start3A_375 : memref<80x32xf32, #tpu.memory_space<vmem>>) offsets(%dma_start3A_378 : memref<80xi32, #tpu.memory_space<vmem>>) semaphore(%arg18 : memref<!tpu.dma_semaphore, #tpu.memory_space<semaphore_mem>>)
        %mul3A_382 = arith.constant 400 : i32
        %mul3A_383 = arith.muli %sub3A_175, %mul3A_382 : i32
        %add3A_384 = arith.constant 320 : i32
        %add3A_385 = arith.addi %mul3A_383, %add3A_384 : i32
        %dma_start3A_386 = arith.constant 0 : i32
        %dma_start3A_387 = tpu.memref_slice %arg11[%add3A_385, %dma_start3A_386] : memref<800x32xf32, #tpu.memory_space<vmem>> -> memref<80x32xf32, #tpu.memory_space<vmem>>
        %dma_start3A_388 = arith.constant 320 : i32
        %dma_start3A_389 = tpu.memref_slice %arg8[%sub3A_175, %dma_start3A_388] : memref<2x400xi32, #tpu.memory_space<vmem>> -> memref<1x80xi32, #tpu.memory_space<vmem>>
        %dma_start3A_390 = tpu.memref_squeeze %dma_start3A_389 : memref<1x80xi32, #tpu.memory_space<vmem>> -> memref<80xi32, #tpu.memory_space<vmem>>
        %dma_start3A_391 = arith.constant 0 : i32
        %dma_start3A_392 = arith.constant 0 : i32
        %dma_start3A_393 = tpu.memref_slice %arg5[%dma_start3A_391, %dma_start3A_392] : memref<100000x32xf32, #tpu.memory_space<hbm>> -> memref<100000x32xf32, #tpu.memory_space<hbm>>
        tpu.enqueue_indirect_dma source(%dma_start3A_393 : memref<100000x32xf32, #tpu.memory_space<hbm>>) target(%dma_start3A_387 : memref<80x32xf32, #tpu.memory_space<vmem>>) offsets(%dma_start3A_390 : memref<80xi32, #tpu.memory_space<vmem>>) semaphore(%arg15 : memref<!tpu.dma_semaphore, #tpu.memory_space<semaphore_mem>>)
        %dma_start3A_394 = arith.constant 0 : i32
        %dma_start3A_395 = tpu.memref_slice %arg12[%add3A_385, %dma_start3A_394] : memref<800x32xf32, #tpu.memory_space<vmem>> -> memref<80x32xf32, #tpu.memory_space<vmem>>
        %dma_start3A_396 = arith.constant 320 : i32
        %dma_start3A_397 = tpu.memref_slice %arg9[%sub3A_175, %dma_start3A_396] : memref<2x400xi32, #tpu.memory_space<vmem>> -> memref<1x80xi32, #tpu.memory_space<vmem>>
        %dma_start3A_398 = tpu.memref_squeeze %dma_start3A_397 : memref<1x80xi32, #tpu.memory_space<vmem>> -> memref<80xi32, #tpu.memory_space<vmem>>
        %dma_start3A_399 = arith.constant 0 : i32
        %dma_start3A_400 = arith.constant 0 : i32
        %dma_start3A_401 = tpu.memref_slice %arg5[%dma_start3A_399, %dma_start3A_400] : memref<100000x32xf32, #tpu.memory_space<hbm>> -> memref<100000x32xf32, #tpu.memory_space<hbm>>
        tpu.enqueue_indirect_dma source(%dma_start3A_401 : memref<100000x32xf32, #tpu.memory_space<hbm>>) target(%dma_start3A_395 : memref<80x32xf32, #tpu.memory_space<vmem>>) offsets(%dma_start3A_398 : memref<80xi32, #tpu.memory_space<vmem>>) semaphore(%arg17 : memref<!tpu.dma_semaphore, #tpu.memory_space<semaphore_mem>>)
      } else {
      }
      %lt3A_229 = arith.constant 123 : i32
      %lt3A_230 = arith.cmpi slt, %scan3A_171, %lt3A_229 : i32
      %convert_element_type3A_231 = arith.extui %lt3A_230 : i1 to i32
      %cond3A_232 = arith.constant 0 : i32
      %cond3A_233 = arith.cmpi ne, %convert_element_type3A_231, %cond3A_232 : i32
      scf.if %cond3A_233 {
        %add3A_269 = arith.constant 2 : i32
        %add3A_270 = arith.addi %scan3A_171, %add3A_269 : i32
        %mul3A_271 = arith.constant 400 : i32
        %mul3A_272 = arith.muli %add3A_270, %mul3A_271 : i32
        %add3A_273 = arith.addi %mul3A_2, %mul3A_272 : i32
        %dma_start3A_274 = arith.constant 0 : i32
        %dma_start3A_275 = tpu.memref_slice %arg8[%and3A_174, %dma_start3A_274] : memref<2x400xi32, #tpu.memory_space<vmem>> -> memref<1x400xi32, #tpu.memory_space<vmem>>
        %dma_start3A_276 = tpu.memref_squeeze %dma_start3A_275 : memref<1x400xi32, #tpu.memory_space<vmem>> -> memref<400xi32, #tpu.memory_space<vmem>>
        %dma_start3A_277 = tpu.memref_slice %arg2[%add3A_273] : memref<1600000xi32, #tpu.memory_space<hbm>> -> memref<400xi32, #tpu.memory_space<hbm>>
        %dma_start3A_278 = arith.constant 0 : i32
        %dma_start3A_279 = tpu.memref_slice %arg8[%and3A_174, %dma_start3A_278] : memref<2x400xi32, #tpu.memory_space<vmem>> -> memref<1x400xi32, #tpu.memory_space<vmem>>
        %dma_start3A_280 = tpu.memref_squeeze %dma_start3A_279 : memref<1x400xi32, #tpu.memory_space<vmem>> -> memref<400xi32, #tpu.memory_space<vmem>>
        %dma_start3A_281 = tpu.memref_slice %arg2[%add3A_273] : memref<1600000xi32, #tpu.memory_space<hbm>> -> memref<400xi32, #tpu.memory_space<hbm>>
        tpu.enqueue_dma source(%dma_start3A_281 : memref<400xi32, #tpu.memory_space<hbm>>) target(%dma_start3A_280 : memref<400xi32, #tpu.memory_space<vmem>>) target_semaphore(%arg19 : memref<!tpu.dma_semaphore, #tpu.memory_space<semaphore_mem>>)
        %dma_start3A_282 = arith.constant 0 : i32
        %dma_start3A_283 = tpu.memref_slice %arg9[%and3A_174, %dma_start3A_282] : memref<2x400xi32, #tpu.memory_space<vmem>> -> memref<1x400xi32, #tpu.memory_space<vmem>>
        %dma_start3A_284 = tpu.memref_squeeze %dma_start3A_283 : memref<1x400xi32, #tpu.memory_space<vmem>> -> memref<400xi32, #tpu.memory_space<vmem>>
        %dma_start3A_285 = tpu.memref_slice %arg3[%add3A_273] : memref<1600000xi32, #tpu.memory_space<hbm>> -> memref<400xi32, #tpu.memory_space<hbm>>
        %dma_start3A_286 = arith.constant 0 : i32
        %dma_start3A_287 = tpu.memref_slice %arg9[%and3A_174, %dma_start3A_286] : memref<2x400xi32, #tpu.memory_space<vmem>> -> memref<1x400xi32, #tpu.memory_space<vmem>>
        %dma_start3A_288 = tpu.memref_squeeze %dma_start3A_287 : memref<1x400xi32, #tpu.memory_space<vmem>> -> memref<400xi32, #tpu.memory_space<vmem>>
        %dma_start3A_289 = tpu.memref_slice %arg3[%add3A_273] : memref<1600000xi32, #tpu.memory_space<hbm>> -> memref<400xi32, #tpu.memory_space<hbm>>
        tpu.enqueue_dma source(%dma_start3A_289 : memref<400xi32, #tpu.memory_space<hbm>>) target(%dma_start3A_288 : memref<400xi32, #tpu.memory_space<vmem>>) target_semaphore(%arg19 : memref<!tpu.dma_semaphore, #tpu.memory_space<semaphore_mem>>)
      } else {
      }
      %ge3A = arith.constant 2 : i32
      %ge3A_234 = arith.cmpi sge, %scan3A_171, %ge3A : i32
      %eq3A = arith.constant 0 : i32
      %eq3A_235 = arith.cmpi eq, %and3A_174, %eq3A : i32
      %and3A_236 = arith.andi %ge3A_234, %eq3A_235 : i1
      %convert_element_type3A_237 = arith.extui %and3A_236 : i1 to i32
      %cond3A_238 = arith.constant 0 : i32
      %cond3A_239 = arith.cmpi ne, %convert_element_type3A_237, %cond3A_238 : i32
      scf.if %cond3A_239 {
        %dma_wait3A_269 = arith.constant 0 : i32
        %dma_wait3A_270 = arith.constant 0 : i32
        %dma_wait3A_271 = tpu.memref_slice %arg13[%dma_wait3A_269, %dma_wait3A_270] : memref<2x400xf32, #tpu.memory_space<vmem>> -> memref<1x400xf32, #tpu.memory_space<vmem>>
        %dma_wait3A_272 = tpu.memref_squeeze %dma_wait3A_271 : memref<1x400xf32, #tpu.memory_space<vmem>> -> memref<400xf32, #tpu.memory_space<vmem>>
        %dma_wait3A_273 = tpu.memref_slice %arg6[%mul3A_2] : memref<1600000xf32, #tpu.memory_space<hbm>> -> memref<400xf32, #tpu.memory_space<hbm>>
        %dma_wait3A_274 = tpu.memref_slice %arg6[%mul3A_2] : memref<1600000xf32, #tpu.memory_space<hbm>> -> memref<400xf32, #tpu.memory_space<hbm>>
        %dma_wait3A_275 = arith.constant 0 : i32
        %dma_wait3A_276 = tpu.memref_slice %arg13[%dma_wait3A_269, %dma_wait3A_275] : memref<2x400xf32, #tpu.memory_space<vmem>> -> memref<1x400xf32, #tpu.memory_space<vmem>>
        %dma_wait3A_277 = tpu.memref_squeeze %dma_wait3A_276 : memref<1x400xf32, #tpu.memory_space<vmem>> -> memref<400xf32, #tpu.memory_space<vmem>>
        tpu.wait_dma2 semaphore(%arg20 : memref<!tpu.dma_semaphore, #tpu.memory_space<semaphore_mem>>) src(%dma_wait3A_277 : memref<400xf32, #tpu.memory_space<vmem>>) dst(%dma_wait3A_274 : memref<400xf32, #tpu.memory_space<hbm>>)
      } else {
      }
      %ge3A_240 = arith.constant 2 : i32
      %ge3A_241 = arith.cmpi sge, %scan3A_171, %ge3A_240 : i32
      %eq3A_242 = arith.constant 1 : i32
      %eq3A_243 = arith.cmpi eq, %and3A_174, %eq3A_242 : i32
      %and3A_244 = arith.andi %ge3A_241, %eq3A_243 : i1
      %convert_element_type3A_245 = arith.extui %and3A_244 : i1 to i32
      %cond3A_246 = arith.constant 0 : i32
      %cond3A_247 = arith.cmpi ne, %convert_element_type3A_245, %cond3A_246 : i32
      scf.if %cond3A_247 {
        %dma_wait3A_269 = arith.constant 1 : i32
        %dma_wait3A_270 = arith.constant 0 : i32
        %dma_wait3A_271 = tpu.memref_slice %arg13[%dma_wait3A_269, %dma_wait3A_270] : memref<2x400xf32, #tpu.memory_space<vmem>> -> memref<1x400xf32, #tpu.memory_space<vmem>>
        %dma_wait3A_272 = tpu.memref_squeeze %dma_wait3A_271 : memref<1x400xf32, #tpu.memory_space<vmem>> -> memref<400xf32, #tpu.memory_space<vmem>>
        %dma_wait3A_273 = tpu.memref_slice %arg6[%mul3A_2] : memref<1600000xf32, #tpu.memory_space<hbm>> -> memref<400xf32, #tpu.memory_space<hbm>>
        %dma_wait3A_274 = tpu.memref_slice %arg6[%mul3A_2] : memref<1600000xf32, #tpu.memory_space<hbm>> -> memref<400xf32, #tpu.memory_space<hbm>>
        %dma_wait3A_275 = arith.constant 0 : i32
        %dma_wait3A_276 = tpu.memref_slice %arg13[%dma_wait3A_269, %dma_wait3A_275] : memref<2x400xf32, #tpu.memory_space<vmem>> -> memref<1x400xf32, #tpu.memory_space<vmem>>
        %dma_wait3A_277 = tpu.memref_squeeze %dma_wait3A_276 : memref<1x400xf32, #tpu.memory_space<vmem>> -> memref<400xf32, #tpu.memory_space<vmem>>
        tpu.wait_dma2 semaphore(%arg21 : memref<!tpu.dma_semaphore, #tpu.memory_space<semaphore_mem>>) src(%dma_wait3A_277 : memref<400xf32, #tpu.memory_space<vmem>>) dst(%dma_wait3A_274 : memref<400xf32, #tpu.memory_space<hbm>>)
      } else {
      }
      %scan3A_248 = arith.constant 0 : i32
      %scan3A_249 = arith.constant 25 : i32
      %scan3A_250 = arith.addi %scan3A_248, %scan3A_249 : i32
      %scan3A_251 = arith.constant 1 : i32
      %scan3A_252:2 = scf.for %scan3A_269 = %scan3A_248 to %scan3A_250 step %scan3A_251 iter_args(%scan3A_270 = %scan3A_172, %scan3A_271 = %scan3A_173) -> (vector<16xf32>, vector<16xf32>)  : i32 {
        %mul3A_272 = arith.constant 16 : i32
        %mul3A_273 = arith.muli %scan3A_269, %mul3A_272 : i32
        %mul3A_274 = arith.constant 400 : i32
        %mul3A_275 = arith.muli %and3A_174, %mul3A_274 : i32
        %add3A_276 = arith.addi %mul3A_275, %mul3A_273 : i32
        %add3A_277 = vector.broadcast %add3A_276 : i32 to vector<16xi32>
        %add3A_278 = arith.addi %add3A_277, %iota3A : vector<16xi32>
        %mul3A_279 = arith.constant 32 : i32
        %mul3A_280 = vector.broadcast %mul3A_279 : i32 to vector<16xi32>
        %mul3A_281 = arith.muli %add3A_278, %mul3A_280 : vector<16xi32>
        %add3A_282 = arith.addi %mul3A_281, %iota3A : vector<16xi32>
        %xor3A = arith.constant 0 : i32
        %xor3A_283 = vector.broadcast %xor3A : i32 to vector<16xi32>
        %xor3A_284 = arith.xori %add3A_282, %xor3A_283 : vector<16xi32>
        %gather3A = tpu.vector_load_idx %arg11[%broadcast_in_dim3A_5, %xor3A_284] : memref<800x32xf32, #tpu.memory_space<vmem>>[vector<16xi32>, vector<16xi32>], vector<16xf32>,
        %gather3A_285 = tpu.vector_load_idx %arg12[%broadcast_in_dim3A_5, %xor3A_284] : memref<800x32xf32, #tpu.memory_space<vmem>>[vector<16xi32>, vector<16xi32>], vector<16xf32>,
        %mul3A_286 = arith.mulf %gather3A, %gather3A_285 : vector<16xf32>
        %add3A_287 = arith.addf %broadcast_in_dim3A_3, %mul3A_286 : vector<16xf32>
        %mul3A_288 = arith.mulf %gather3A, %gather3A : vector<16xf32>
        %add3A_289 = arith.addf %broadcast_in_dim3A_3, %mul3A_288 : vector<16xf32>
        %xor3A_290 = arith.constant 1 : i32
        %xor3A_291 = vector.broadcast %xor3A_290 : i32 to vector<16xi32>
        %xor3A_292 = arith.xori %add3A_282, %xor3A_291 : vector<16xi32>
        %gather3A_293 = tpu.vector_load_idx %arg11[%broadcast_in_dim3A_5, %xor3A_292] : memref<800x32xf32, #tpu.memory_space<vmem>>[vector<16xi32>, vector<16xi32>], vector<16xf32>,
        %gather3A_294 = tpu.vector_load_idx %arg12[%broadcast_in_dim3A_5, %xor3A_292] : memref<800x32xf32, #tpu.memory_space<vmem>>[vector<16xi32>, vector<16xi32>], vector<16xf32>,
        %mul3A_295 = arith.mulf %gather3A_293, %gather3A_294 : vector<16xf32>
        %add3A_296 = arith.addf %add3A_287, %mul3A_295 : vector<16xf32>
        %mul3A_297 = arith.mulf %gather3A_293, %gather3A_293 : vector<16xf32>
        %add3A_298 = arith.addf %add3A_289, %mul3A_297 : vector<16xf32>
        %xor3A_299 = arith.constant 2 : i32
        %xor3A_300 = vector.broadcast %xor3A_299 : i32 to vector<16xi32>
        %xor3A_301 = arith.xori %add3A_282, %xor3A_300 : vector<16xi32>
        %gather3A_302 = tpu.vector_load_idx %arg11[%broadcast_in_dim3A_5, %xor3A_301] : memref<800x32xf32, #tpu.memory_space<vmem>>[vector<16xi32>, vector<16xi32>], vector<16xf32>,
        %gather3A_303 = tpu.vector_load_idx %arg12[%broadcast_in_dim3A_5, %xor3A_301] : memref<800x32xf32, #tpu.memory_space<vmem>>[vector<16xi32>, vector<16xi32>], vector<16xf32>,
        %mul3A_304 = arith.mulf %gather3A_302, %gather3A_303 : vector<16xf32>
        %add3A_305 = arith.addf %add3A_296, %mul3A_304 : vector<16xf32>
        %mul3A_306 = arith.mulf %gather3A_302, %gather3A_302 : vector<16xf32>
        %add3A_307 = arith.addf %add3A_298, %mul3A_306 : vector<16xf32>
        %xor3A_308 = arith.constant 3 : i32
        %xor3A_309 = vector.broadcast %xor3A_308 : i32 to vector<16xi32>
        %xor3A_310 = arith.xori %add3A_282, %xor3A_309 : vector<16xi32>
        %gather3A_311 = tpu.vector_load_idx %arg11[%broadcast_in_dim3A_5, %xor3A_310] : memref<800x32xf32, #tpu.memory_space<vmem>>[vector<16xi32>, vector<16xi32>], vector<16xf32>,
        %gather3A_312 = tpu.vector_load_idx %arg12[%broadcast_in_dim3A_5, %xor3A_310] : memref<800x32xf32, #tpu.memory_space<vmem>>[vector<16xi32>, vector<16xi32>], vector<16xf32>,
        %mul3A_313 = arith.mulf %gather3A_311, %gather3A_312 : vector<16xf32>
        %add3A_314 = arith.addf %add3A_305, %mul3A_313 : vector<16xf32>
        %mul3A_315 = arith.mulf %gather3A_311, %gather3A_311 : vector<16xf32>
        %add3A_316 = arith.addf %add3A_307, %mul3A_315 : vector<16xf32>
        %xor3A_317 = arith.constant 4 : i32
        %xor3A_318 = vector.broadcast %xor3A_317 : i32 to vector<16xi32>
        %xor3A_319 = arith.xori %add3A_282, %xor3A_318 : vector<16xi32>
        %gather3A_320 = tpu.vector_load_idx %arg11[%broadcast_in_dim3A_5, %xor3A_319] : memref<800x32xf32, #tpu.memory_space<vmem>>[vector<16xi32>, vector<16xi32>], vector<16xf32>,
        %gather3A_321 = tpu.vector_load_idx %arg12[%broadcast_in_dim3A_5, %xor3A_319] : memref<800x32xf32, #tpu.memory_space<vmem>>[vector<16xi32>, vector<16xi32>], vector<16xf32>,
        %mul3A_322 = arith.mulf %gather3A_320, %gather3A_321 : vector<16xf32>
        %add3A_323 = arith.addf %add3A_314, %mul3A_322 : vector<16xf32>
        %mul3A_324 = arith.mulf %gather3A_320, %gather3A_320 : vector<16xf32>
        %add3A_325 = arith.addf %add3A_316, %mul3A_324 : vector<16xf32>
        %xor3A_326 = arith.constant 5 : i32
        %xor3A_327 = vector.broadcast %xor3A_326 : i32 to vector<16xi32>
        %xor3A_328 = arith.xori %add3A_282, %xor3A_327 : vector<16xi32>
        %gather3A_329 = tpu.vector_load_idx %arg11[%broadcast_in_dim3A_5, %xor3A_328] : memref<800x32xf32, #tpu.memory_space<vmem>>[vector<16xi32>, vector<16xi32>], vector<16xf32>,
        %gather3A_330 = tpu.vector_load_idx %arg12[%broadcast_in_dim3A_5, %xor3A_328] : memref<800x32xf32, #tpu.memory_space<vmem>>[vector<16xi32>, vector<16xi32>], vector<16xf32>,
        %mul3A_331 = arith.mulf %gather3A_329, %gather3A_330 : vector<16xf32>
        %add3A_332 = arith.addf %add3A_323, %mul3A_331 : vector<16xf32>
        %mul3A_333 = arith.mulf %gather3A_329, %gather3A_329 : vector<16xf32>
        %add3A_334 = arith.addf %add3A_325, %mul3A_333 : vector<16xf32>
        %xor3A_335 = arith.constant 6 : i32
        %xor3A_336 = vector.broadcast %xor3A_335 : i32 to vector<16xi32>
        %xor3A_337 = arith.xori %add3A_282, %xor3A_336 : vector<16xi32>
        %gather3A_338 = tpu.vector_load_idx %arg11[%broadcast_in_dim3A_5, %xor3A_337] : memref<800x32xf32, #tpu.memory_space<vmem>>[vector<16xi32>, vector<16xi32>], vector<16xf32>,
        %gather3A_339 = tpu.vector_load_idx %arg12[%broadcast_in_dim3A_5, %xor3A_337] : memref<800x32xf32, #tpu.memory_space<vmem>>[vector<16xi32>, vector<16xi32>], vector<16xf32>,
        %mul3A_340 = arith.mulf %gather3A_338, %gather3A_339 : vector<16xf32>
        %add3A_341 = arith.addf %add3A_332, %mul3A_340 : vector<16xf32>
        %mul3A_342 = arith.mulf %gather3A_338, %gather3A_338 : vector<16xf32>
        %add3A_343 = arith.addf %add3A_334, %mul3A_342 : vector<16xf32>
        %xor3A_344 = arith.constant 7 : i32
        %xor3A_345 = vector.broadcast %xor3A_344 : i32 to vector<16xi32>
        %xor3A_346 = arith.xori %add3A_282, %xor3A_345 : vector<16xi32>
        %gather3A_347 = tpu.vector_load_idx %arg11[%broadcast_in_dim3A_5, %xor3A_346] : memref<800x32xf32, #tpu.memory_space<vmem>>[vector<16xi32>, vector<16xi32>], vector<16xf32>,
        %gather3A_348 = tpu.vector_load_idx %arg12[%broadcast_in_dim3A_5, %xor3A_346] : memref<800x32xf32, #tpu.memory_space<vmem>>[vector<16xi32>, vector<16xi32>], vector<16xf32>,
        %mul3A_349 = arith.mulf %gather3A_347, %gather3A_348 : vector<16xf32>
        %add3A_350 = arith.addf %add3A_341, %mul3A_349 : vector<16xf32>
        %mul3A_351 = arith.mulf %gather3A_347, %gather3A_347 : vector<16xf32>
        %add3A_352 = arith.addf %add3A_343, %mul3A_351 : vector<16xf32>
        %xor3A_353 = arith.constant 8 : i32
        %xor3A_354 = vector.broadcast %xor3A_353 : i32 to vector<16xi32>
        %xor3A_355 = arith.xori %add3A_282, %xor3A_354 : vector<16xi32>
        %gather3A_356 = tpu.vector_load_idx %arg11[%broadcast_in_dim3A_5, %xor3A_355] : memref<800x32xf32, #tpu.memory_space<vmem>>[vector<16xi32>, vector<16xi32>], vector<16xf32>,
        %gather3A_357 = tpu.vector_load_idx %arg12[%broadcast_in_dim3A_5, %xor3A_355] : memref<800x32xf32, #tpu.memory_space<vmem>>[vector<16xi32>, vector<16xi32>], vector<16xf32>,
        %mul3A_358 = arith.mulf %gather3A_356, %gather3A_357 : vector<16xf32>
        %add3A_359 = arith.addf %add3A_350, %mul3A_358 : vector<16xf32>
        %mul3A_360 = arith.mulf %gather3A_356, %gather3A_356 : vector<16xf32>
        %add3A_361 = arith.addf %add3A_352, %mul3A_360 : vector<16xf32>
        %xor3A_362 = arith.constant 9 : i32
        %xor3A_363 = vector.broadcast %xor3A_362 : i32 to vector<16xi32>
        %xor3A_364 = arith.xori %add3A_282, %xor3A_363 : vector<16xi32>
        %gather3A_365 = tpu.vector_load_idx %arg11[%broadcast_in_dim3A_5, %xor3A_364] : memref<800x32xf32, #tpu.memory_space<vmem>>[vector<16xi32>, vector<16xi32>], vector<16xf32>,
        %gather3A_366 = tpu.vector_load_idx %arg12[%broadcast_in_dim3A_5, %xor3A_364] : memref<800x32xf32, #tpu.memory_space<vmem>>[vector<16xi32>, vector<16xi32>], vector<16xf32>,
        %mul3A_367 = arith.mulf %gather3A_365, %gather3A_366 : vector<16xf32>
        %add3A_368 = arith.addf %add3A_359, %mul3A_367 : vector<16xf32>
        %mul3A_369 = arith.mulf %gather3A_365, %gather3A_365 : vector<16xf32>
        %add3A_370 = arith.addf %add3A_361, %mul3A_369 : vector<16xf32>
        %xor3A_371 = arith.constant 10 : i32
        %xor3A_372 = vector.broadcast %xor3A_371 : i32 to vector<16xi32>
        %xor3A_373 = arith.xori %add3A_282, %xor3A_372 : vector<16xi32>
        %gather3A_374 = tpu.vector_load_idx %arg11[%broadcast_in_dim3A_5, %xor3A_373] : memref<800x32xf32, #tpu.memory_space<vmem>>[vector<16xi32>, vector<16xi32>], vector<16xf32>,
        %gather3A_375 = tpu.vector_load_idx %arg12[%broadcast_in_dim3A_5, %xor3A_373] : memref<800x32xf32, #tpu.memory_space<vmem>>[vector<16xi32>, vector<16xi32>], vector<16xf32>,
        %mul3A_376 = arith.mulf %gather3A_374, %gather3A_375 : vector<16xf32>
        %add3A_377 = arith.addf %add3A_368, %mul3A_376 : vector<16xf32>
        %mul3A_378 = arith.mulf %gather3A_374, %gather3A_374 : vector<16xf32>
        %add3A_379 = arith.addf %add3A_370, %mul3A_378 : vector<16xf32>
        %xor3A_380 = arith.constant 11 : i32
        %xor3A_381 = vector.broadcast %xor3A_380 : i32 to vector<16xi32>
        %xor3A_382 = arith.xori %add3A_282, %xor3A_381 : vector<16xi32>
        %gather3A_383 = tpu.vector_load_idx %arg11[%broadcast_in_dim3A_5, %xor3A_382] : memref<800x32xf32, #tpu.memory_space<vmem>>[vector<16xi32>, vector<16xi32>], vector<16xf32>,
        %gather3A_384 = tpu.vector_load_idx %arg12[%broadcast_in_dim3A_5, %xor3A_382] : memref<800x32xf32, #tpu.memory_space<vmem>>[vector<16xi32>, vector<16xi32>], vector<16xf32>,
        %mul3A_385 = arith.mulf %gather3A_383, %gather3A_384 : vector<16xf32>
        %add3A_386 = arith.addf %add3A_377, %mul3A_385 : vector<16xf32>
        %mul3A_387 = arith.mulf %gather3A_383, %gather3A_383 : vector<16xf32>
        %add3A_388 = arith.addf %add3A_379, %mul3A_387 : vector<16xf32>
        %xor3A_389 = arith.constant 12 : i32
        %xor3A_390 = vector.broadcast %xor3A_389 : i32 to vector<16xi32>
        %xor3A_391 = arith.xori %add3A_282, %xor3A_390 : vector<16xi32>
        %gather3A_392 = tpu.vector_load_idx %arg11[%broadcast_in_dim3A_5, %xor3A_391] : memref<800x32xf32, #tpu.memory_space<vmem>>[vector<16xi32>, vector<16xi32>], vector<16xf32>,
        %gather3A_393 = tpu.vector_load_idx %arg12[%broadcast_in_dim3A_5, %xor3A_391] : memref<800x32xf32, #tpu.memory_space<vmem>>[vector<16xi32>, vector<16xi32>], vector<16xf32>,
        %mul3A_394 = arith.mulf %gather3A_392, %gather3A_393 : vector<16xf32>
        %add3A_395 = arith.addf %add3A_386, %mul3A_394 : vector<16xf32>
        %mul3A_396 = arith.mulf %gather3A_392, %gather3A_392 : vector<16xf32>
        %add3A_397 = arith.addf %add3A_388, %mul3A_396 : vector<16xf32>
        %xor3A_398 = arith.constant 13 : i32
        %xor3A_399 = vector.broadcast %xor3A_398 : i32 to vector<16xi32>
        %xor3A_400 = arith.xori %add3A_282, %xor3A_399 : vector<16xi32>
        %gather3A_401 = tpu.vector_load_idx %arg11[%broadcast_in_dim3A_5, %xor3A_400] : memref<800x32xf32, #tpu.memory_space<vmem>>[vector<16xi32>, vector<16xi32>], vector<16xf32>,
        %gather3A_402 = tpu.vector_load_idx %arg12[%broadcast_in_dim3A_5, %xor3A_400] : memref<800x32xf32, #tpu.memory_space<vmem>>[vector<16xi32>, vector<16xi32>], vector<16xf32>,
        %mul3A_403 = arith.mulf %gather3A_401, %gather3A_402 : vector<16xf32>
        %add3A_404 = arith.addf %add3A_395, %mul3A_403 : vector<16xf32>
        %mul3A_405 = arith.mulf %gather3A_401, %gather3A_401 : vector<16xf32>
        %add3A_406 = arith.addf %add3A_397, %mul3A_405 : vector<16xf32>
        %xor3A_407 = arith.constant 14 : i32
        %xor3A_408 = vector.broadcast %xor3A_407 : i32 to vector<16xi32>
        %xor3A_409 = arith.xori %add3A_282, %xor3A_408 : vector<16xi32>
        %gather3A_410 = tpu.vector_load_idx %arg11[%broadcast_in_dim3A_5, %xor3A_409] : memref<800x32xf32, #tpu.memory_space<vmem>>[vector<16xi32>, vector<16xi32>], vector<16xf32>,
        %gather3A_411 = tpu.vector_load_idx %arg12[%broadcast_in_dim3A_5, %xor3A_409] : memref<800x32xf32, #tpu.memory_space<vmem>>[vector<16xi32>, vector<16xi32>], vector<16xf32>,
        %mul3A_412 = arith.mulf %gather3A_410, %gather3A_411 : vector<16xf32>
        %add3A_413 = arith.addf %add3A_404, %mul3A_412 : vector<16xf32>
        %mul3A_414 = arith.mulf %gather3A_410, %gather3A_410 : vector<16xf32>
        %add3A_415 = arith.addf %add3A_406, %mul3A_414 : vector<16xf32>
        %xor3A_416 = arith.constant 15 : i32
        %xor3A_417 = vector.broadcast %xor3A_416 : i32 to vector<16xi32>
        %xor3A_418 = arith.xori %add3A_282, %xor3A_417 : vector<16xi32>
        %gather3A_419 = tpu.vector_load_idx %arg11[%broadcast_in_dim3A_5, %xor3A_418] : memref<800x32xf32, #tpu.memory_space<vmem>>[vector<16xi32>, vector<16xi32>], vector<16xf32>,
        %gather3A_420 = tpu.vector_load_idx %arg12[%broadcast_in_dim3A_5, %xor3A_418] : memref<800x32xf32, #tpu.memory_space<vmem>>[vector<16xi32>, vector<16xi32>], vector<16xf32>,
        %mul3A_421 = arith.mulf %gather3A_419, %gather3A_420 : vector<16xf32>
        %add3A_422 = arith.addf %add3A_413, %mul3A_421 : vector<16xf32>
        %mul3A_423 = arith.mulf %gather3A_419, %gather3A_419 : vector<16xf32>
        %add3A_424 = arith.addf %add3A_415, %mul3A_423 : vector<16xf32>
        %xor3A_425 = arith.constant 16 : i32
        %xor3A_426 = vector.broadcast %xor3A_425 : i32 to vector<16xi32>
        %xor3A_427 = arith.xori %add3A_282, %xor3A_426 : vector<16xi32>
        %gather3A_428 = tpu.vector_load_idx %arg11[%broadcast_in_dim3A_5, %xor3A_427] : memref<800x32xf32, #tpu.memory_space<vmem>>[vector<16xi32>, vector<16xi32>], vector<16xf32>,
        %gather3A_429 = tpu.vector_load_idx %arg12[%broadcast_in_dim3A_5, %xor3A_427] : memref<800x32xf32, #tpu.memory_space<vmem>>[vector<16xi32>, vector<16xi32>], vector<16xf32>,
        %mul3A_430 = arith.mulf %gather3A_428, %gather3A_429 : vector<16xf32>
        %add3A_431 = arith.addf %add3A_422, %mul3A_430 : vector<16xf32>
        %mul3A_432 = arith.mulf %gather3A_428, %gather3A_428 : vector<16xf32>
        %add3A_433 = arith.addf %add3A_424, %mul3A_432 : vector<16xf32>
        %xor3A_434 = arith.constant 17 : i32
        %xor3A_435 = vector.broadcast %xor3A_434 : i32 to vector<16xi32>
        %xor3A_436 = arith.xori %add3A_282, %xor3A_435 : vector<16xi32>
        %gather3A_437 = tpu.vector_load_idx %arg11[%broadcast_in_dim3A_5, %xor3A_436] : memref<800x32xf32, #tpu.memory_space<vmem>>[vector<16xi32>, vector<16xi32>], vector<16xf32>,
        %gather3A_438 = tpu.vector_load_idx %arg12[%broadcast_in_dim3A_5, %xor3A_436] : memref<800x32xf32, #tpu.memory_space<vmem>>[vector<16xi32>, vector<16xi32>], vector<16xf32>,
        %mul3A_439 = arith.mulf %gather3A_437, %gather3A_438 : vector<16xf32>
        %add3A_440 = arith.addf %add3A_431, %mul3A_439 : vector<16xf32>
        %mul3A_441 = arith.mulf %gather3A_437, %gather3A_437 : vector<16xf32>
        %add3A_442 = arith.addf %add3A_433, %mul3A_441 : vector<16xf32>
        %xor3A_443 = arith.constant 18 : i32
        %xor3A_444 = vector.broadcast %xor3A_443 : i32 to vector<16xi32>
        %xor3A_445 = arith.xori %add3A_282, %xor3A_444 : vector<16xi32>
        %gather3A_446 = tpu.vector_load_idx %arg11[%broadcast_in_dim3A_5, %xor3A_445] : memref<800x32xf32, #tpu.memory_space<vmem>>[vector<16xi32>, vector<16xi32>], vector<16xf32>,
        %gather3A_447 = tpu.vector_load_idx %arg12[%broadcast_in_dim3A_5, %xor3A_445] : memref<800x32xf32, #tpu.memory_space<vmem>>[vector<16xi32>, vector<16xi32>], vector<16xf32>,
        %mul3A_448 = arith.mulf %gather3A_446, %gather3A_447 : vector<16xf32>
        %add3A_449 = arith.addf %add3A_440, %mul3A_448 : vector<16xf32>
        %mul3A_450 = arith.mulf %gather3A_446, %gather3A_446 : vector<16xf32>
        %add3A_451 = arith.addf %add3A_442, %mul3A_450 : vector<16xf32>
        %xor3A_452 = arith.constant 19 : i32
        %xor3A_453 = vector.broadcast %xor3A_452 : i32 to vector<16xi32>
        %xor3A_454 = arith.xori %add3A_282, %xor3A_453 : vector<16xi32>
        %gather3A_455 = tpu.vector_load_idx %arg11[%broadcast_in_dim3A_5, %xor3A_454] : memref<800x32xf32, #tpu.memory_space<vmem>>[vector<16xi32>, vector<16xi32>], vector<16xf32>,
        %gather3A_456 = tpu.vector_load_idx %arg12[%broadcast_in_dim3A_5, %xor3A_454] : memref<800x32xf32, #tpu.memory_space<vmem>>[vector<16xi32>, vector<16xi32>], vector<16xf32>,
        %mul3A_457 = arith.mulf %gather3A_455, %gather3A_456 : vector<16xf32>
        %add3A_458 = arith.addf %add3A_449, %mul3A_457 : vector<16xf32>
        %mul3A_459 = arith.mulf %gather3A_455, %gather3A_455 : vector<16xf32>
        %add3A_460 = arith.addf %add3A_451, %mul3A_459 : vector<16xf32>
        %xor3A_461 = arith.constant 20 : i32
        %xor3A_462 = vector.broadcast %xor3A_461 : i32 to vector<16xi32>
        %xor3A_463 = arith.xori %add3A_282, %xor3A_462 : vector<16xi32>
        %gather3A_464 = tpu.vector_load_idx %arg11[%broadcast_in_dim3A_5, %xor3A_463] : memref<800x32xf32, #tpu.memory_space<vmem>>[vector<16xi32>, vector<16xi32>], vector<16xf32>,
        %gather3A_465 = tpu.vector_load_idx %arg12[%broadcast_in_dim3A_5, %xor3A_463] : memref<800x32xf32, #tpu.memory_space<vmem>>[vector<16xi32>, vector<16xi32>], vector<16xf32>,
        %mul3A_466 = arith.mulf %gather3A_464, %gather3A_465 : vector<16xf32>
        %add3A_467 = arith.addf %add3A_458, %mul3A_466 : vector<16xf32>
        %mul3A_468 = arith.mulf %gather3A_464, %gather3A_464 : vector<16xf32>
        %add3A_469 = arith.addf %add3A_460, %mul3A_468 : vector<16xf32>
        %xor3A_470 = arith.constant 21 : i32
        %xor3A_471 = vector.broadcast %xor3A_470 : i32 to vector<16xi32>
        %xor3A_472 = arith.xori %add3A_282, %xor3A_471 : vector<16xi32>
        %gather3A_473 = tpu.vector_load_idx %arg11[%broadcast_in_dim3A_5, %xor3A_472] : memref<800x32xf32, #tpu.memory_space<vmem>>[vector<16xi32>, vector<16xi32>], vector<16xf32>,
        %gather3A_474 = tpu.vector_load_idx %arg12[%broadcast_in_dim3A_5, %xor3A_472] : memref<800x32xf32, #tpu.memory_space<vmem>>[vector<16xi32>, vector<16xi32>], vector<16xf32>,
        %mul3A_475 = arith.mulf %gather3A_473, %gather3A_474 : vector<16xf32>
        %add3A_476 = arith.addf %add3A_467, %mul3A_475 : vector<16xf32>
        %mul3A_477 = arith.mulf %gather3A_473, %gather3A_473 : vector<16xf32>
        %add3A_478 = arith.addf %add3A_469, %mul3A_477 : vector<16xf32>
        %xor3A_479 = arith.constant 22 : i32
        %xor3A_480 = vector.broadcast %xor3A_479 : i32 to vector<16xi32>
        %xor3A_481 = arith.xori %add3A_282, %xor3A_480 : vector<16xi32>
        %gather3A_482 = tpu.vector_load_idx %arg11[%broadcast_in_dim3A_5, %xor3A_481] : memref<800x32xf32, #tpu.memory_space<vmem>>[vector<16xi32>, vector<16xi32>], vector<16xf32>,
        %gather3A_483 = tpu.vector_load_idx %arg12[%broadcast_in_dim3A_5, %xor3A_481] : memref<800x32xf32, #tpu.memory_space<vmem>>[vector<16xi32>, vector<16xi32>], vector<16xf32>,
        %mul3A_484 = arith.mulf %gather3A_482, %gather3A_483 : vector<16xf32>
        %add3A_485 = arith.addf %add3A_476, %mul3A_484 : vector<16xf32>
        %mul3A_486 = arith.mulf %gather3A_482, %gather3A_482 : vector<16xf32>
        %add3A_487 = arith.addf %add3A_478, %mul3A_486 : vector<16xf32>
        %xor3A_488 = arith.constant 23 : i32
        %xor3A_489 = vector.broadcast %xor3A_488 : i32 to vector<16xi32>
        %xor3A_490 = arith.xori %add3A_282, %xor3A_489 : vector<16xi32>
        %gather3A_491 = tpu.vector_load_idx %arg11[%broadcast_in_dim3A_5, %xor3A_490] : memref<800x32xf32, #tpu.memory_space<vmem>>[vector<16xi32>, vector<16xi32>], vector<16xf32>,
        %gather3A_492 = tpu.vector_load_idx %arg12[%broadcast_in_dim3A_5, %xor3A_490] : memref<800x32xf32, #tpu.memory_space<vmem>>[vector<16xi32>, vector<16xi32>], vector<16xf32>,
        %mul3A_493 = arith.mulf %gather3A_491, %gather3A_492 : vector<16xf32>
        %add3A_494 = arith.addf %add3A_485, %mul3A_493 : vector<16xf32>
        %mul3A_495 = arith.mulf %gather3A_491, %gather3A_491 : vector<16xf32>
        %add3A_496 = arith.addf %add3A_487, %mul3A_495 : vector<16xf32>
        %xor3A_497 = arith.constant 24 : i32
        %xor3A_498 = vector.broadcast %xor3A_497 : i32 to vector<16xi32>
        %xor3A_499 = arith.xori %add3A_282, %xor3A_498 : vector<16xi32>
        %gather3A_500 = tpu.vector_load_idx %arg11[%broadcast_in_dim3A_5, %xor3A_499] : memref<800x32xf32, #tpu.memory_space<vmem>>[vector<16xi32>, vector<16xi32>], vector<16xf32>,
        %gather3A_501 = tpu.vector_load_idx %arg12[%broadcast_in_dim3A_5, %xor3A_499] : memref<800x32xf32, #tpu.memory_space<vmem>>[vector<16xi32>, vector<16xi32>], vector<16xf32>,
        %mul3A_502 = arith.mulf %gather3A_500, %gather3A_501 : vector<16xf32>
        %add3A_503 = arith.addf %add3A_494, %mul3A_502 : vector<16xf32>
        %mul3A_504 = arith.mulf %gather3A_500, %gather3A_500 : vector<16xf32>
        %add3A_505 = arith.addf %add3A_496, %mul3A_504 : vector<16xf32>
        %xor3A_506 = arith.constant 25 : i32
        %xor3A_507 = vector.broadcast %xor3A_506 : i32 to vector<16xi32>
        %xor3A_508 = arith.xori %add3A_282, %xor3A_507 : vector<16xi32>
        %gather3A_509 = tpu.vector_load_idx %arg11[%broadcast_in_dim3A_5, %xor3A_508] : memref<800x32xf32, #tpu.memory_space<vmem>>[vector<16xi32>, vector<16xi32>], vector<16xf32>,
        %gather3A_510 = tpu.vector_load_idx %arg12[%broadcast_in_dim3A_5, %xor3A_508] : memref<800x32xf32, #tpu.memory_space<vmem>>[vector<16xi32>, vector<16xi32>], vector<16xf32>,
        %mul3A_511 = arith.mulf %gather3A_509, %gather3A_510 : vector<16xf32>
        %add3A_512 = arith.addf %add3A_503, %mul3A_511 : vector<16xf32>
        %mul3A_513 = arith.mulf %gather3A_509, %gather3A_509 : vector<16xf32>
        %add3A_514 = arith.addf %add3A_505, %mul3A_513 : vector<16xf32>
        %xor3A_515 = arith.constant 26 : i32
        %xor3A_516 = vector.broadcast %xor3A_515 : i32 to vector<16xi32>
        %xor3A_517 = arith.xori %add3A_282, %xor3A_516 : vector<16xi32>
        %gather3A_518 = tpu.vector_load_idx %arg11[%broadcast_in_dim3A_5, %xor3A_517] : memref<800x32xf32, #tpu.memory_space<vmem>>[vector<16xi32>, vector<16xi32>], vector<16xf32>,
        %gather3A_519 = tpu.vector_load_idx %arg12[%broadcast_in_dim3A_5, %xor3A_517] : memref<800x32xf32, #tpu.memory_space<vmem>>[vector<16xi32>, vector<16xi32>], vector<16xf32>,
        %mul3A_520 = arith.mulf %gather3A_518, %gather3A_519 : vector<16xf32>
        %add3A_521 = arith.addf %add3A_512, %mul3A_520 : vector<16xf32>
        %mul3A_522 = arith.mulf %gather3A_518, %gather3A_518 : vector<16xf32>
        %add3A_523 = arith.addf %add3A_514, %mul3A_522 : vector<16xf32>
        %xor3A_524 = arith.constant 27 : i32
        %xor3A_525 = vector.broadcast %xor3A_524 : i32 to vector<16xi32>
        %xor3A_526 = arith.xori %add3A_282, %xor3A_525 : vector<16xi32>
        %gather3A_527 = tpu.vector_load_idx %arg11[%broadcast_in_dim3A_5, %xor3A_526] : memref<800x32xf32, #tpu.memory_space<vmem>>[vector<16xi32>, vector<16xi32>], vector<16xf32>,
        %gather3A_528 = tpu.vector_load_idx %arg12[%broadcast_in_dim3A_5, %xor3A_526] : memref<800x32xf32, #tpu.memory_space<vmem>>[vector<16xi32>, vector<16xi32>], vector<16xf32>,
        %mul3A_529 = arith.mulf %gather3A_527, %gather3A_528 : vector<16xf32>
        %add3A_530 = arith.addf %add3A_521, %mul3A_529 : vector<16xf32>
        %mul3A_531 = arith.mulf %gather3A_527, %gather3A_527 : vector<16xf32>
        %add3A_532 = arith.addf %add3A_523, %mul3A_531 : vector<16xf32>
        %xor3A_533 = arith.constant 28 : i32
        %xor3A_534 = vector.broadcast %xor3A_533 : i32 to vector<16xi32>
        %xor3A_535 = arith.xori %add3A_282, %xor3A_534 : vector<16xi32>
        %gather3A_536 = tpu.vector_load_idx %arg11[%broadcast_in_dim3A_5, %xor3A_535] : memref<800x32xf32, #tpu.memory_space<vmem>>[vector<16xi32>, vector<16xi32>], vector<16xf32>,
        %gather3A_537 = tpu.vector_load_idx %arg12[%broadcast_in_dim3A_5, %xor3A_535] : memref<800x32xf32, #tpu.memory_space<vmem>>[vector<16xi32>, vector<16xi32>], vector<16xf32>,
        %mul3A_538 = arith.mulf %gather3A_536, %gather3A_537 : vector<16xf32>
        %add3A_539 = arith.addf %add3A_530, %mul3A_538 : vector<16xf32>
        %mul3A_540 = arith.mulf %gather3A_536, %gather3A_536 : vector<16xf32>
        %add3A_541 = arith.addf %add3A_532, %mul3A_540 : vector<16xf32>
        %xor3A_542 = arith.constant 29 : i32
        %xor3A_543 = vector.broadcast %xor3A_542 : i32 to vector<16xi32>
        %xor3A_544 = arith.xori %add3A_282, %xor3A_543 : vector<16xi32>
        %gather3A_545 = tpu.vector_load_idx %arg11[%broadcast_in_dim3A_5, %xor3A_544] : memref<800x32xf32, #tpu.memory_space<vmem>>[vector<16xi32>, vector<16xi32>], vector<16xf32>,
        %gather3A_546 = tpu.vector_load_idx %arg12[%broadcast_in_dim3A_5, %xor3A_544] : memref<800x32xf32, #tpu.memory_space<vmem>>[vector<16xi32>, vector<16xi32>], vector<16xf32>,
        %mul3A_547 = arith.mulf %gather3A_545, %gather3A_546 : vector<16xf32>
        %add3A_548 = arith.addf %add3A_539, %mul3A_547 : vector<16xf32>
        %mul3A_549 = arith.mulf %gather3A_545, %gather3A_545 : vector<16xf32>
        %add3A_550 = arith.addf %add3A_541, %mul3A_549 : vector<16xf32>
        %xor3A_551 = arith.constant 30 : i32
        %xor3A_552 = vector.broadcast %xor3A_551 : i32 to vector<16xi32>
        %xor3A_553 = arith.xori %add3A_282, %xor3A_552 : vector<16xi32>
        %gather3A_554 = tpu.vector_load_idx %arg11[%broadcast_in_dim3A_5, %xor3A_553] : memref<800x32xf32, #tpu.memory_space<vmem>>[vector<16xi32>, vector<16xi32>], vector<16xf32>,
        %gather3A_555 = tpu.vector_load_idx %arg12[%broadcast_in_dim3A_5, %xor3A_553] : memref<800x32xf32, #tpu.memory_space<vmem>>[vector<16xi32>, vector<16xi32>], vector<16xf32>,
        %mul3A_556 = arith.mulf %gather3A_554, %gather3A_555 : vector<16xf32>
        %add3A_557 = arith.addf %add3A_548, %mul3A_556 : vector<16xf32>
        %mul3A_558 = arith.mulf %gather3A_554, %gather3A_554 : vector<16xf32>
        %add3A_559 = arith.addf %add3A_550, %mul3A_558 : vector<16xf32>
        %xor3A_560 = arith.constant 31 : i32
        %xor3A_561 = vector.broadcast %xor3A_560 : i32 to vector<16xi32>
        %xor3A_562 = arith.xori %add3A_282, %xor3A_561 : vector<16xi32>
        %gather3A_563 = tpu.vector_load_idx %arg11[%broadcast_in_dim3A_5, %xor3A_562] : memref<800x32xf32, #tpu.memory_space<vmem>>[vector<16xi32>, vector<16xi32>], vector<16xf32>,
        %gather3A_564 = tpu.vector_load_idx %arg12[%broadcast_in_dim3A_5, %xor3A_562] : memref<800x32xf32, #tpu.memory_space<vmem>>[vector<16xi32>, vector<16xi32>], vector<16xf32>,
        %mul3A_565 = arith.mulf %gather3A_563, %gather3A_564 : vector<16xf32>
        %add3A_566 = arith.addf %add3A_557, %mul3A_565 : vector<16xf32>
        %mul3A_567 = arith.mulf %gather3A_563, %gather3A_563 : vector<16xf32>
        %add3A_568 = arith.addf %add3A_559, %mul3A_567 : vector<16xf32>
        %get3A = arith.index_cast %and3A_174 : i32 to index
        %get3A_569 = arith.index_cast %mul3A_273 : i32 to index
        %get3A_570 = tpu.vector_load %arg10[%get3A, %get3A_569] {strides = array<i32>} : memref<2x400xf32, #tpu.memory_space<vmem>>, vector<16xf32>,
        %swap3A_571 = arith.index_cast %and3A_174 : i32 to index
        %swap3A_572 = arith.index_cast %mul3A_273 : i32 to index
        %swap3A_573 = tpu.vector_load %arg13[%swap3A_571, %swap3A_572] {strides = array<i32>} : memref<2x400xf32, #tpu.memory_space<vmem>>, vector<16xf32>,
        tpu.vector_store %arg13[%swap3A_571, %swap3A_572], %add3A_566 {strides = array<i32>} : memref<2x400xf32, #tpu.memory_space<vmem>>, vector<16xf32>,
        %sub3A_574 = arith.subf %get3A_570, %add3A_566 : vector<16xf32>
        %mul3A_575 = arith.mulf %sub3A_574, %sub3A_574 : vector<16xf32>
        %add3A_576 = arith.addf %scan3A_270, %mul3A_575 : vector<16xf32>
        %broadcast_in_dim3A_577 = arith.constant 1.000000e-30 : f32
        %broadcast_in_dim3A_578 = vector.broadcast %broadcast_in_dim3A_577 : f32 to vector<16xf32>
        %max3A = arith.maximumf %add3A_568, %broadcast_in_dim3A_578 : vector<16xf32>
        %bitcast3A = vector.bitcast %max3A : vector<16xf32> to vector<16xi32>
        %shift_right_logical3A = arith.constant 1 : i32
        %shift_right_logical3A_579 = vector.broadcast %shift_right_logical3A : i32 to vector<16xi32>
        %shift_right_logical3A_580 = arith.shrui %bitcast3A, %shift_right_logical3A_579 : vector<16xi32>
        %sub3A_581 = arith.constant 1597463007 : i32
        %sub3A_582 = vector.broadcast %sub3A_581 : i32 to vector<16xi32>
        %sub3A_583 = arith.subi %sub3A_582, %shift_right_logical3A_580 : vector<16xi32>
        %bitcast3A_584 = vector.bitcast %sub3A_583 : vector<16xi32> to vector<16xf32>
        %mul3A_585 = arith.constant 5.000000e-01 : f32
        %mul3A_586 = vector.broadcast %mul3A_585 : f32 to vector<16xf32>
        %mul3A_587 = arith.mulf %mul3A_586, %max3A : vector<16xf32>
        %mul3A_588 = arith.mulf %mul3A_587, %bitcast3A_584 : vector<16xf32>
        %mul3A_589 = arith.mulf %mul3A_588, %bitcast3A_584 : vector<16xf32>
        %sub3A_590 = arith.constant 1.500000e+00 : f32
        %sub3A_591 = vector.broadcast %sub3A_590 : f32 to vector<16xf32>
        %sub3A_592 = arith.subf %sub3A_591, %mul3A_589 : vector<16xf32>
        %mul3A_593 = arith.mulf %bitcast3A_584, %sub3A_592 : vector<16xf32>
        %mul3A_594 = arith.constant 5.000000e-01 : f32
        %mul3A_595 = vector.broadcast %mul3A_594 : f32 to vector<16xf32>
        %mul3A_596 = arith.mulf %mul3A_595, %max3A : vector<16xf32>
        %mul3A_597 = arith.mulf %mul3A_596, %mul3A_593 : vector<16xf32>
        %mul3A_598 = arith.mulf %mul3A_597, %mul3A_593 : vector<16xf32>
        %sub3A_599 = arith.constant 1.500000e+00 : f32
        %sub3A_600 = vector.broadcast %sub3A_599 : f32 to vector<16xf32>
        %sub3A_601 = arith.subf %sub3A_600, %mul3A_598 : vector<16xf32>
        %mul3A_602 = arith.mulf %mul3A_593, %sub3A_601 : vector<16xf32>
        %mul3A_603 = arith.constant 5.000000e-01 : f32
        %mul3A_604 = vector.broadcast %mul3A_603 : f32 to vector<16xf32>
        %mul3A_605 = arith.mulf %mul3A_604, %max3A : vector<16xf32>
        %mul3A_606 = arith.mulf %mul3A_605, %mul3A_602 : vector<16xf32>
        %mul3A_607 = arith.mulf %mul3A_606, %mul3A_602 : vector<16xf32>
        %sub3A_608 = arith.constant 1.500000e+00 : f32
        %sub3A_609 = vector.broadcast %sub3A_608 : f32 to vector<16xf32>
        %sub3A_610 = arith.subf %sub3A_609, %mul3A_607 : vector<16xf32>
        %mul3A_611 = arith.mulf %mul3A_602, %sub3A_610 : vector<16xf32>
        %mul3A_612 = arith.mulf %max3A, %mul3A_611 : vector<16xf32>
        %add3A_613 = arith.addf %scan3A_271, %mul3A_612 : vector<16xf32>
        scf.yield %add3A_576, %add3A_613 : vector<16xf32>, vector<16xf32>
      }
      %scan3A_253 = arith.constant 25 : i32
      %eq3A_254 = arith.constant 0 : i32
      %eq3A_255 = arith.cmpi eq, %and3A_174, %eq3A_254 : i32
      %convert_element_type3A_256 = arith.extui %eq3A_255 : i1 to i32
      %cond3A_257 = arith.constant 0 : i32
      %cond3A_258 = arith.cmpi ne, %convert_element_type3A_256, %cond3A_257 : i32
      scf.if %cond3A_258 {
        %dma_start3A_269 = arith.constant 0 : i32
        %dma_start3A_270 = arith.constant 0 : i32
        %dma_start3A_271 = tpu.memref_slice %arg13[%dma_start3A_269, %dma_start3A_270] : memref<2x400xf32, #tpu.memory_space<vmem>> -> memref<1x400xf32, #tpu.memory_space<vmem>>
        %dma_start3A_272 = tpu.memref_squeeze %dma_start3A_271 : memref<1x400xf32, #tpu.memory_space<vmem>> -> memref<400xf32, #tpu.memory_space<vmem>>
        %dma_start3A_273 = tpu.memref_slice %arg6[%add3A_178] : memref<1600000xf32, #tpu.memory_space<hbm>> -> memref<400xf32, #tpu.memory_space<hbm>>
        %dma_start3A_274 = tpu.memref_slice %arg6[%add3A_178] : memref<1600000xf32, #tpu.memory_space<hbm>> -> memref<400xf32, #tpu.memory_space<hbm>>
        %dma_start3A_275 = arith.constant 0 : i32
        %dma_start3A_276 = tpu.memref_slice %arg13[%dma_start3A_269, %dma_start3A_275] : memref<2x400xf32, #tpu.memory_space<vmem>> -> memref<1x400xf32, #tpu.memory_space<vmem>>
        %dma_start3A_277 = tpu.memref_squeeze %dma_start3A_276 : memref<1x400xf32, #tpu.memory_space<vmem>> -> memref<400xf32, #tpu.memory_space<vmem>>
        tpu.enqueue_dma source(%dma_start3A_277 : memref<400xf32, #tpu.memory_space<vmem>>) target(%dma_start3A_274 : memref<400xf32, #tpu.memory_space<hbm>>) target_semaphore(%arg20 : memref<!tpu.dma_semaphore, #tpu.memory_space<semaphore_mem>>)
      } else {
      }
      %eq3A_259 = arith.constant 1 : i32
      %eq3A_260 = arith.cmpi eq, %and3A_174, %eq3A_259 : i32
      %convert_element_type3A_261 = arith.extui %eq3A_260 : i1 to i32
      %cond3A_262 = arith.constant 0 : i32
      %cond3A_263 = arith.cmpi ne, %convert_element_type3A_261, %cond3A_262 : i32
      scf.if %cond3A_263 {
        %dma_start3A_269 = arith.constant 1 : i32
        %dma_start3A_270 = arith.constant 0 : i32
        %dma_start3A_271 = tpu.memref_slice %arg13[%dma_start3A_269, %dma_start3A_270] : memref<2x400xf32, #tpu.memory_space<vmem>> -> memref<1x400xf32, #tpu.memory_space<vmem>>
        %dma_start3A_272 = tpu.memref_squeeze %dma_start3A_271 : memref<1x400xf32, #tpu.memory_space<vmem>> -> memref<400xf32, #tpu.memory_space<vmem>>
        %dma_start3A_273 = tpu.memref_slice %arg6[%add3A_178] : memref<1600000xf32, #tpu.memory_space<hbm>> -> memref<400xf32, #tpu.memory_space<hbm>>
        %dma_start3A_274 = tpu.memref_slice %arg6[%add3A_178] : memref<1600000xf32, #tpu.memory_space<hbm>> -> memref<400xf32, #tpu.memory_space<hbm>>
        %dma_start3A_275 = arith.constant 0 : i32
        %dma_start3A_276 = tpu.memref_slice %arg13[%dma_start3A_269, %dma_start3A_275] : memref<2x400xf32, #tpu.memory_space<vmem>> -> memref<1x400xf32, #tpu.memory_space<vmem>>
        %dma_start3A_277 = tpu.memref_squeeze %dma_start3A_276 : memref<1x400xf32, #tpu.memory_space<vmem>> -> memref<400xf32, #tpu.memory_space<vmem>>
        tpu.enqueue_dma source(%dma_start3A_277 : memref<400xf32, #tpu.memory_space<vmem>>) target(%dma_start3A_274 : memref<400xf32, #tpu.memory_space<hbm>>) target_semaphore(%arg21 : memref<!tpu.dma_semaphore, #tpu.memory_space<semaphore_mem>>)
      } else {
      }
      %lt3A_264 = arith.constant 123 : i32
      %lt3A_265 = arith.cmpi slt, %scan3A_171, %lt3A_264 : i32
      %convert_element_type3A_266 = arith.extui %lt3A_265 : i1 to i32
      %cond3A_267 = arith.constant 0 : i32
      %cond3A_268 = arith.cmpi ne, %convert_element_type3A_266, %cond3A_267 : i32
      scf.if %cond3A_268 {
        %add3A_269 = arith.constant 800 : i32
        %add3A_270 = arith.addi %add3A_178, %add3A_269 : i32
        %dma_start3A_271 = arith.constant 0 : i32
        %dma_start3A_272 = tpu.memref_slice %arg10[%and3A_174, %dma_start3A_271] : memref<2x400xf32, #tpu.memory_space<vmem>> -> memref<1x400xf32, #tpu.memory_space<vmem>>
        %dma_start3A_273 = tpu.memref_squeeze %dma_start3A_272 : memref<1x400xf32, #tpu.memory_space<vmem>> -> memref<400xf32, #tpu.memory_space<vmem>>
        %dma_start3A_274 = tpu.memref_slice %arg4[%add3A_270] : memref<1600000xf32, #tpu.memory_space<hbm>> -> memref<400xf32, #tpu.memory_space<hbm>>
        %dma_start3A_275 = arith.constant 0 : i32
        %dma_start3A_276 = tpu.memref_slice %arg10[%and3A_174, %dma_start3A_275] : memref<2x400xf32, #tpu.memory_space<vmem>> -> memref<1x400xf32, #tpu.memory_space<vmem>>
        %dma_start3A_277 = tpu.memref_squeeze %dma_start3A_276 : memref<1x400xf32, #tpu.memory_space<vmem>> -> memref<400xf32, #tpu.memory_space<vmem>>
        %dma_start3A_278 = tpu.memref_slice %arg4[%add3A_270] : memref<1600000xf32, #tpu.memory_space<hbm>> -> memref<400xf32, #tpu.memory_space<hbm>>
        tpu.enqueue_dma source(%dma_start3A_278 : memref<400xf32, #tpu.memory_space<hbm>>) target(%dma_start3A_277 : memref<400xf32, #tpu.memory_space<vmem>>) target_semaphore(%arg19 : memref<!tpu.dma_semaphore, #tpu.memory_space<semaphore_mem>>)
      } else {
      }
      scf.yield %scan3A_252#0, %scan3A_252#1 : vector<16xf32>, vector<16xf32>
    }
    %scan3A_142 = arith.constant 125 : i32
    %dma_wait3A = arith.constant 0 : i32
    %dma_wait3A_143 = arith.constant 0 : i32
    %dma_wait3A_144 = tpu.memref_slice %arg13[%dma_wait3A, %dma_wait3A_143] : memref<2x400xf32, #tpu.memory_space<vmem>> -> memref<1x400xf32, #tpu.memory_space<vmem>>
    %dma_wait3A_145 = tpu.memref_squeeze %dma_wait3A_144 : memref<1x400xf32, #tpu.memory_space<vmem>> -> memref<400xf32, #tpu.memory_space<vmem>>
    %dma_wait3A_146 = tpu.memref_slice %arg6[%mul3A_2] : memref<1600000xf32, #tpu.memory_space<hbm>> -> memref<400xf32, #tpu.memory_space<hbm>>
    %dma_wait3A_147 = tpu.memref_slice %arg6[%mul3A_2] : memref<1600000xf32, #tpu.memory_space<hbm>> -> memref<400xf32, #tpu.memory_space<hbm>>
    %dma_wait3A_148 = arith.constant 0 : i32
    %dma_wait3A_149 = tpu.memref_slice %arg13[%dma_wait3A, %dma_wait3A_148] : memref<2x400xf32, #tpu.memory_space<vmem>> -> memref<1x400xf32, #tpu.memory_space<vmem>>
    %dma_wait3A_150 = tpu.memref_squeeze %dma_wait3A_149 : memref<1x400xf32, #tpu.memory_space<vmem>> -> memref<400xf32, #tpu.memory_space<vmem>>
    tpu.wait_dma2 semaphore(%arg20 : memref<!tpu.dma_semaphore, #tpu.memory_space<semaphore_mem>>) src(%dma_wait3A_150 : memref<400xf32, #tpu.memory_space<vmem>>) dst(%dma_wait3A_147 : memref<400xf32, #tpu.memory_space<hbm>>)
    %dma_wait3A_151 = arith.constant 1 : i32
    %dma_wait3A_152 = arith.constant 0 : i32
    %dma_wait3A_153 = tpu.memref_slice %arg13[%dma_wait3A_151, %dma_wait3A_152] : memref<2x400xf32, #tpu.memory_space<vmem>> -> memref<1x400xf32, #tpu.memory_space<vmem>>
    %dma_wait3A_154 = tpu.memref_squeeze %dma_wait3A_153 : memref<1x400xf32, #tpu.memory_space<vmem>> -> memref<400xf32, #tpu.memory_space<vmem>>
    %dma_wait3A_155 = tpu.memref_slice %arg6[%mul3A_2] : memref<1600000xf32, #tpu.memory_space<hbm>> -> memref<400xf32, #tpu.memory_space<hbm>>
    %dma_wait3A_156 = tpu.memref_slice %arg6[%mul3A_2] : memref<1600000xf32, #tpu.memory_space<hbm>> -> memref<400xf32, #tpu.memory_space<hbm>>
    %dma_wait3A_157 = arith.constant 0 : i32
    %dma_wait3A_158 = tpu.memref_slice %arg13[%dma_wait3A_151, %dma_wait3A_157] : memref<2x400xf32, #tpu.memory_space<vmem>> -> memref<1x400xf32, #tpu.memory_space<vmem>>
    %dma_wait3A_159 = tpu.memref_squeeze %dma_wait3A_158 : memref<1x400xf32, #tpu.memory_space<vmem>> -> memref<400xf32, #tpu.memory_space<vmem>>
    tpu.wait_dma2 semaphore(%arg21 : memref<!tpu.dma_semaphore, #tpu.memory_space<semaphore_mem>>) src(%dma_wait3A_159 : memref<400xf32, #tpu.memory_space<vmem>>) dst(%dma_wait3A_156 : memref<400xf32, #tpu.memory_space<hbm>>)
    %swap3A = arith.constant 0 : i32
    %swap3A_160 = arith.index_cast %swap3A : i32 to index
    %swap3A_161 = arith.constant 0 : index
    %swap3A_162 = tpu.vector_load %arg14[%swap3A_160, %swap3A_161] {strides = array<i32>} : memref<2x16xf32, #tpu.memory_space<vmem>>, vector<16xf32>,
    tpu.vector_store %arg14[%swap3A_160, %swap3A_161], %scan3A_141#0 {strides = array<i32>} : memref<2x16xf32, #tpu.memory_space<vmem>>, vector<16xf32>,
    %swap3A_163 = arith.constant 1 : i32
    %swap3A_164 = arith.index_cast %swap3A_163 : i32 to index
    %swap3A_165 = arith.constant 0 : index
    %swap3A_166 = tpu.vector_load %arg14[%swap3A_164, %swap3A_165] {strides = array<i32>} : memref<2x16xf32, #tpu.memory_space<vmem>>, vector<16xf32>,
    tpu.vector_store %arg14[%swap3A_164, %swap3A_165], %scan3A_141#1 {strides = array<i32>} : memref<2x16xf32, #tpu.memory_space<vmem>>, vector<16xf32>,
    %run_scoped3A_167 = arith.constant 0 : i32
    %run_scoped3A_168 = arith.constant 0 : i32
    "tpu.region"() ({
      %run_scoped3A_171 = tpu.sem_alloc : memref<!tpu.dma_semaphore, #tpu.memory_space<semaphore_mem>>
      %dma_start3A_172 = arith.constant 0 : i32
      %dma_start3A_173 = tpu.memref_slice %arg14[%run_scoped3A_167, %dma_start3A_172] : memref<2x16xf32, #tpu.memory_space<vmem>> -> memref<1x16xf32, #tpu.memory_space<vmem>>
      %dma_start3A_174 = tpu.memref_squeeze %dma_start3A_173 : memref<1x16xf32, #tpu.memory_space<vmem>> -> memref<16xf32, #tpu.memory_space<vmem>>
      %dma_start3A_175 = arith.constant 0 : i32
      %dma_start3A_176 = tpu.memref_slice %arg7[%run_scoped3A_168, %add3A, %dma_start3A_175] : memref<2x32x16xf32, #tpu.memory_space<hbm>> -> memref<1x1x16xf32, #tpu.memory_space<hbm>>
      %dma_start3A_177 = tpu.memref_squeeze %dma_start3A_176 : memref<1x1x16xf32, #tpu.memory_space<hbm>> -> memref<16xf32, #tpu.memory_space<hbm>>
      %dma_start3A_178 = arith.constant 0 : i32
      %dma_start3A_179 = tpu.memref_slice %arg7[%run_scoped3A_168, %add3A, %dma_start3A_178] : memref<2x32x16xf32, #tpu.memory_space<hbm>> -> memref<1x1x16xf32, #tpu.memory_space<hbm>>
      %dma_start3A_180 = tpu.memref_squeeze %dma_start3A_179 : memref<1x1x16xf32, #tpu.memory_space<hbm>> -> memref<16xf32, #tpu.memory_space<hbm>>
      %dma_start3A_181 = arith.constant 0 : i32
      %dma_start3A_182 = tpu.memref_slice %arg14[%run_scoped3A_167, %dma_start3A_181] : memref<2x16xf32, #tpu.memory_space<vmem>> -> memref<1x16xf32, #tpu.memory_space<vmem>>
      %dma_start3A_183 = tpu.memref_squeeze %dma_start3A_182 : memref<1x16xf32, #tpu.memory_space<vmem>> -> memref<16xf32, #tpu.memory_space<vmem>>
      tpu.enqueue_dma source(%dma_start3A_183 : memref<16xf32, #tpu.memory_space<vmem>>) target(%dma_start3A_180 : memref<16xf32, #tpu.memory_space<hbm>>) target_semaphore(%run_scoped3A_171 : memref<!tpu.dma_semaphore, #tpu.memory_space<semaphore_mem>>)
      %dma_wait3A_184 = arith.constant 0 : i32
      %dma_wait3A_185 = tpu.memref_slice %arg14[%run_scoped3A_167, %dma_wait3A_184] : memref<2x16xf32, #tpu.memory_space<vmem>> -> memref<1x16xf32, #tpu.memory_space<vmem>>
      %dma_wait3A_186 = tpu.memref_squeeze %dma_wait3A_185 : memref<1x16xf32, #tpu.memory_space<vmem>> -> memref<16xf32, #tpu.memory_space<vmem>>
      %dma_wait3A_187 = arith.constant 0 : i32
      %dma_wait3A_188 = tpu.memref_slice %arg7[%run_scoped3A_168, %add3A, %dma_wait3A_187] : memref<2x32x16xf32, #tpu.memory_space<hbm>> -> memref<1x1x16xf32, #tpu.memory_space<hbm>>
      %dma_wait3A_189 = tpu.memref_squeeze %dma_wait3A_188 : memref<1x1x16xf32, #tpu.memory_space<hbm>> -> memref<16xf32, #tpu.memory_space<hbm>>
      %dma_wait3A_190 = arith.constant 0 : i32
      %dma_wait3A_191 = tpu.memref_slice %arg7[%run_scoped3A_168, %add3A, %dma_wait3A_190] : memref<2x32x16xf32, #tpu.memory_space<hbm>> -> memref<1x1x16xf32, #tpu.memory_space<hbm>>
      %dma_wait3A_192 = tpu.memref_squeeze %dma_wait3A_191 : memref<1x1x16xf32, #tpu.memory_space<hbm>> -> memref<16xf32, #tpu.memory_space<hbm>>
      %dma_wait3A_193 = arith.constant 0 : i32
      %dma_wait3A_194 = tpu.memref_slice %arg14[%run_scoped3A_167, %dma_wait3A_193] : memref<2x16xf32, #tpu.memory_space<vmem>> -> memref<1x16xf32, #tpu.memory_space<vmem>>
      %dma_wait3A_195 = tpu.memref_squeeze %dma_wait3A_194 : memref<1x16xf32, #tpu.memory_space<vmem>> -> memref<16xf32, #tpu.memory_space<vmem>>
      tpu.wait_dma2 semaphore(%run_scoped3A_171 : memref<!tpu.dma_semaphore, #tpu.memory_space<semaphore_mem>>) src(%dma_wait3A_195 : memref<16xf32, #tpu.memory_space<vmem>>) dst(%dma_wait3A_192 : memref<16xf32, #tpu.memory_space<hbm>>)
      tpu.yield
    }) : () -> ()
    %run_scoped3A_169 = arith.constant 1 : i32
    %run_scoped3A_170 = arith.constant 1 : i32
    "tpu.region"() ({
      %run_scoped3A_171 = tpu.sem_alloc : memref<!tpu.dma_semaphore, #tpu.memory_space<semaphore_mem>>
      %dma_start3A_172 = arith.constant 0 : i32
      %dma_start3A_173 = tpu.memref_slice %arg14[%run_scoped3A_169, %dma_start3A_172] : memref<2x16xf32, #tpu.memory_space<vmem>> -> memref<1x16xf32, #tpu.memory_space<vmem>>
      %dma_start3A_174 = tpu.memref_squeeze %dma_start3A_173 : memref<1x16xf32, #tpu.memory_space<vmem>> -> memref<16xf32, #tpu.memory_space<vmem>>
      %dma_start3A_175 = arith.constant 0 : i32
      %dma_start3A_176 = tpu.memref_slice %arg7[%run_scoped3A_170, %add3A, %dma_start3A_175] : memref<2x32x16xf32, #tpu.memory_space<hbm>> -> memref<1x1x16xf32, #tpu.memory_space<hbm>>
      %dma_start3A_177 = tpu.memref_squeeze %dma_start3A_176 : memref<1x1x16xf32, #tpu.memory_space<hbm>> -> memref<16xf32, #tpu.memory_space<hbm>>
      %dma_start3A_178 = arith.constant 0 : i32
      %dma_start3A_179 = tpu.memref_slice %arg7[%run_scoped3A_170, %add3A, %dma_start3A_178] : memref<2x32x16xf32, #tpu.memory_space<hbm>> -> memref<1x1x16xf32, #tpu.memory_space<hbm>>
      %dma_start3A_180 = tpu.memref_squeeze %dma_start3A_179 : memref<1x1x16xf32, #tpu.memory_space<hbm>> -> memref<16xf32, #tpu.memory_space<hbm>>
      %dma_start3A_181 = arith.constant 0 : i32
      %dma_start3A_182 = tpu.memref_slice %arg14[%run_scoped3A_169, %dma_start3A_181] : memref<2x16xf32, #tpu.memory_space<vmem>> -> memref<1x16xf32, #tpu.memory_space<vmem>>
      %dma_start3A_183 = tpu.memref_squeeze %dma_start3A_182 : memref<1x16xf32, #tpu.memory_space<vmem>> -> memref<16xf32, #tpu.memory_space<vmem>>
      tpu.enqueue_dma source(%dma_start3A_183 : memref<16xf32, #tpu.memory_space<vmem>>) target(%dma_start3A_180 : memref<16xf32, #tpu.memory_space<hbm>>) target_semaphore(%run_scoped3A_171 : memref<!tpu.dma_semaphore, #tpu.memory_space<semaphore_mem>>)
      %dma_wait3A_184 = arith.constant 0 : i32
      %dma_wait3A_185 = tpu.memref_slice %arg14[%run_scoped3A_169, %dma_wait3A_184] : memref<2x16xf32, #tpu.memory_space<vmem>> -> memref<1x16xf32, #tpu.memory_space<vmem>>
      %dma_wait3A_186 = tpu.memref_squeeze %dma_wait3A_185 : memref<1x16xf32, #tpu.memory_space<vmem>> -> memref<16xf32, #tpu.memory_space<vmem>>
      %dma_wait3A_187 = arith.constant 0 : i32
      %dma_wait3A_188 = tpu.memref_slice %arg7[%run_scoped3A_170, %add3A, %dma_wait3A_187] : memref<2x32x16xf32, #tpu.memory_space<hbm>> -> memref<1x1x16xf32, #tpu.memory_space<hbm>>
      %dma_wait3A_189 = tpu.memref_squeeze %dma_wait3A_188 : memref<1x1x16xf32, #tpu.memory_space<hbm>> -> memref<16xf32, #tpu.memory_space<hbm>>
      %dma_wait3A_190 = arith.constant 0 : i32
      %dma_wait3A_191 = tpu.memref_slice %arg7[%run_scoped3A_170, %add3A, %dma_wait3A_190] : memref<2x32x16xf32, #tpu.memory_space<hbm>> -> memref<1x1x16xf32, #tpu.memory_space<hbm>>
      %dma_wait3A_192 = tpu.memref_squeeze %dma_wait3A_191 : memref<1x1x16xf32, #tpu.memory_space<hbm>> -> memref<16xf32, #tpu.memory_space<hbm>>
      %dma_wait3A_193 = arith.constant 0 : i32
      %dma_wait3A_194 = tpu.memref_slice %arg14[%run_scoped3A_169, %dma_wait3A_193] : memref<2x16xf32, #tpu.memory_space<vmem>> -> memref<1x16xf32, #tpu.memory_space<vmem>>
      %dma_wait3A_195 = tpu.memref_squeeze %dma_wait3A_194 : memref<1x16xf32, #tpu.memory_space<vmem>> -> memref<16xf32, #tpu.memory_space<vmem>>
      tpu.wait_dma2 semaphore(%run_scoped3A_171 : memref<!tpu.dma_semaphore, #tpu.memory_space<semaphore_mem>>) src(%dma_wait3A_195 : memref<16xf32, #tpu.memory_space<vmem>>) dst(%dma_wait3A_192 : memref<16xf32, #tpu.memory_space<hbm>>)
      tpu.yield
    }) : () -> ()
    return
  }
}

module attributes {stable_mosaic.version = 14 : i64} {
  func.func @_loss_body(%arg0: memref<2x512xf32, #tpu.memory_space<vmem>>, %arg1: memref<1x1xf32, #tpu.memory_space<vmem>>) attributes {dimension_semantics = [], scalar_prefetch = 0 : i64, scratch_operands = 0 : i64, tpu.core_type = #tpu.core_type<tc>} {
    %get3A = arith.constant 0 : index
    %get3A_0 = arith.constant 0 : index
    %get3A_1 = vector.load %arg0[%get3A, %get3A_0] : memref<2x512xf32, #tpu.memory_space<vmem>>, vector<1x512xf32>
    %reduce_sum3A = vector.shape_cast %get3A_1 : vector<1x512xf32> to vector<1x1x512xf32>
    %reduce_sum3A_2 = arith.constant dense<0.000000e+00> : vector<1xf32>
    %reduce_sum3A_3 = vector.multi_reduction <add>, %reduce_sum3A, %reduce_sum3A_2 [1, 2] : vector<1x1x512xf32> to vector<1xf32>
    %reduce_sum3A_4 = vector.shape_cast %reduce_sum3A_3 : vector<1xf32> to vector<1x1x1xf32>
    %reduce_sum3A_5 = vector.extract %reduce_sum3A_4[0, 0, 0] : f32 from vector<1x1x1xf32>
    %get3A_6 = arith.constant 1 : index
    %get3A_7 = arith.constant 0 : index
    %get3A_8 = vector.load %arg0[%get3A_6, %get3A_7] : memref<2x512xf32, #tpu.memory_space<vmem>>, vector<1x512xf32>
    %reduce_sum3A_9 = vector.shape_cast %get3A_8 : vector<1x512xf32> to vector<1x1x512xf32>
    %reduce_sum3A_10 = arith.constant dense<0.000000e+00> : vector<1xf32>
    %reduce_sum3A_11 = vector.multi_reduction <add>, %reduce_sum3A_9, %reduce_sum3A_10 [1, 2] : vector<1x1x512xf32> to vector<1xf32>
    %reduce_sum3A_12 = vector.shape_cast %reduce_sum3A_11 : vector<1xf32> to vector<1x1x1xf32>
    %reduce_sum3A_13 = vector.extract %reduce_sum3A_12[0, 0, 0] : f32 from vector<1x1x1xf32>
    %mul3A = arith.constant 1.600000e+06 : f32
    %mul3A_14 = arith.constant 5.000000e-01 : f32
    %mul3A_15 = arith.mulf %mul3A, %mul3A_14 : f32
    %mul3A_16 = arith.mulf %mul3A_15, %reduce_sum3A_5 : f32
    %mul3A_17 = arith.constant 5.000000e-03 : f32
    %mul3A_18 = arith.mulf %mul3A_17, %reduce_sum3A_13 : f32
    %add3A = arith.addf %mul3A_16, %mul3A_18 : f32
    %reshape3A = vector.broadcast %add3A : f32 to vector<1x1xf32>
    %swap3A = arith.constant 0 : index
    %swap3A_19 = arith.constant 0 : index
    %swap3A_20 = vector.load %arg1[%swap3A, %swap3A_19] : memref<1x1xf32, #tpu.memory_space<vmem>>, vector<1x1xf32>
    tpu.vector_store %arg1[%swap3A, %swap3A_19], %reshape3A {strides = array<i32>} : memref<1x1xf32, #tpu.memory_space<vmem>>, vector<1x1xf32>,
    return
  }
}

</mosaic_0001>

<sc_bundles>
// kernel: kernel.4.cloned.1.call-start
scs
__scs_entry_jumppad:
0x0: {  	(pc) =	sbr.rel $0x88, $3  }
0x1: {  	(tag) =	ssettag $0x0;
	lr =	simm.s32 $0x1  }
0x2: {  	[smem:$0x3F9E] =	sst lr;
	_ =	strace $0xD0000000  }
0x3: {  	_ = 	snop  }
0x4: {  	_ = 	snop  }
0x5: {  	_ = 	snop  }
0x6: {  	_ = 	snop  }
0x7: {  	_ = 	snop  }
__scs_overlays_trampoline_lowered:
0x8: {  	[smem:$0x3FAD] =	sst s0  }
0x9: {  	[smem:$0x3FAE] =	sst s1  }
0xa: {  	[smem:$0x3FAF] =	sst s2  }
0xb: {  	[smem:$0x3FB0] =	sst s3  }
0xc: {  	[smem:$0x3FB1] =	sst s4  }
0xd: {  	[smem:$0x3FB2] =	sst s5  }
0xe: {  	[smem:$0x3FB3] =	sst s6  }
0xf: {  	[smem:$0x3FB4] =	sst s7  }
0x10: {  	[smem:$0x3FB5] =	sst s8  }
0x11: {  	[smem:$0x3FB6] =	sst s9;
	s0 =	simm.s32 @!p0 $0x0  }
0x12: {  	s1 =	sld [smem:$0x3F9C];
	s0 =	simm.s32 @p0 $0x1  }
0x13: {  	[smem:$0x3FB7] =	sst s0;
	s0 =	simm.s32 @!p1 $0x0  }
0x14: {  	s2 =	sld [smem:$0x3F9B];
	s0 =	simm.s32 @p1 $0x1  }
0x15: {  	[smem:$0x3FB8] =	sst s0;
	s0 =	simm.s32 @!p2 $0x0  }
0x16: {  	s3 =	sld [smem:$0x3FDB];
	s0 =	simm.s32 @p2 $0x1  }
0x17: {  	s4 =	simm.s32 $0x1BF5;
	[smem:$0x3FBA] =	sst s0  }
0x18: {  	s0 =	sld [smem:$0x3F9D];
	_ =	swait.ge [sflag:s4], $0x0  }
0x19: {  	s7 =	sld [smem:$0x3F9E]  }
0x1a: {  	s8 =	sadd.s32 $0xFFFFE003, lr  }
0x1b: {  	s9 =	sadd.s32 $0xFFFFFEF7, lr;
	s5 =	simm.s32 $0xFFFFFFFF;
	p2 =	slt.u32 s8, $0xFFFFF086  }
0x1c: {  	p1 =	slt.u32 s9, $0xF7A;
	s5 =	simm.s32 @!p2 $0x0  }
0x1d: {  	s5 =	simm.s32 @p1 $0x1;
	p0 =	seq.s32 s7, s2  }
0x1e: {  	s7 =	smul.u32 @!p0 $0xF7A, s2;
	p2 =	seq.s32 @!p0 s5, $0x0  }
0x1f: {  	s9 =	smul.u32 $0xF7A, s1;
	s8 =	simm.s32 @!p0 $0x1BF5;
	p2 =	por !p2, p0  }
0x20: {  	[sflag:s8] =	ssyncset.s32 @!p0 $0xFFFFF086;
	s6 =	sadd.s32 @!p0 s3, s7;
	s7 =	simm.s32 @!p0 $0x108  }
0x21: {  	s3 =	sadd.s32 s3, s9;
	s6 =	sadd.s32 @!p0 $0x88, s6;
	s7 =	simm.s32 @p2 $0x1082  }
0x22: {  	[simem:s7], [sflag:s8] =	dma.local @!p0 [hbm:s6], $0xF7A  }
0x23: {  	s9 =	sor.u32 $0xD0000000, s2;
	s6 =	simm.s32 $0x108;
	_ =	swait.ge @!p0 [sflag:s8], $0x0  }
0x24: {  	s3 =	sadd.s32 $0x88, s3;
	s6 =	simm.s32 @!p1 $0x1082;
	[sflag:s4] =	ssyncset.s32 $0xFFFFF086  }
0x25: {  	[simem:s6], [sflag:s4] =	dma.local [hbm:s3], $0xF7A  }
0x26: {  	[smem:$0x3F9E] =	sst s1;
	(tag) =	ssettag s2;
	_ =	strace s9  }
0x27: {  	s1 =	sld [smem:$0x3FAE]  }
0x28: {  	s2 =	sld [smem:$0x3FAF]  }
0x29: {  	s4 =	sld [smem:$0x3FB1]  }
0x2a: {  	p0 =	seq.s32 s5, $0x0;
	s5 =	sld [smem:$0x3FB2]  }
0x2b: {  	s6 =	sld [smem:$0x3FB3]  }
0x2c: {  	s7 =	sld [smem:$0x3FB4]  }
0x2d: {  	s3 =	simm.s32 $0x108;
	s8 =	sld [smem:$0x3FB5]  }
0x2e: {  	s3 =	simm.s32 @!p0 $0x1082;
	s9 =	sld [smem:$0x3FB6]  }
0x2f: {  	lr =	sadd.s32 s0, s3;
	s0 =	sld [smem:$0x3FAD]  }
0x30: {  	s3 =	sld [smem:$0x3FB0]  }
0x31: {  	[smem:$0x3FB9] =	sst s10  }
0x32: {  	s10 =	sld [smem:$0x3FB7];
	_ =	sdelay $0x3  }
0x33: {  	p0 =	seq.s32 s10, $0x1;
	s10 =	sld [smem:$0x3FB9];
	_ =	sdelay $0x3  }
0x34: {  	[smem:$0x3FB9] =	sst s10  }
0x35: {  	s10 =	sld [smem:$0x3FB8];
	_ =	sdelay $0x3  }
0x36: {  	p1 =	seq.s32 s10, $0x1;
	s10 =	sld [smem:$0x3FB9];
	_ =	sdelay $0x3  }
0x37: {  	[smem:$0x3FB9] =	sst s10  }
0x38: {  	s10 =	sld [smem:$0x3FBA]  }
0x39: {  	_ = 	snop;
	(pc) =	sbr.ind lr, $3  }
0x3a: {  	_ = 	snop  }
0x3b: {  	_ = 	snop  }
0x3c: {  	p2 =	seq.s32 s10, $0x1;
	s10 =	sld [smem:$0x3FB9]  }
0x3d: {  	_ =	shalt  }
0x3e: {  	_ =	shalt  }
0x3f: {  	_ =	shalt  }
0x40: {  	_ =	shalt  }
0x41: {  	_ =	shalt  }
0x42: {  	_ =	shalt  }
0x43: {  	_ =	shalt  }
0x44: {  	_ =	shalt  }
0x45: {  	_ =	shalt  }
0x46: {  	_ =	shalt  }
0x47: {  	_ =	shalt  }
0x48: {  	_ =	shalt  }
0x49: {  	_ =	shalt  }
0x4a: {  	_ =	shalt  }
0x4b: {  	_ =	shalt  }
0x4c: {  	_ =	shalt  }
0x4d: {  	_ =	shalt  }
0x4e: {  	_ =	shalt  }
0x4f: {  	_ =	shalt  }
0x50: {  	_ =	shalt  }
0x51: {  	_ =	shalt  }
0x52: {  	_ =	shalt  }
0x53: {  	_ =	shalt  }
0x54: {  	_ =	shalt  }
0x55: {  	_ =	shalt  }
0x56: {  	_ =	shalt  }
0x57: {  	_ =	shalt  }
0x58: {  	_ =	shalt  }
0x59: {  	_ =	shalt  }
0x5a: {  	_ =	shalt  }
0x5b: {  	_ =	shalt  }
0x5c: {  	_ =	shalt  }
0x5d: {  	_ =	shalt  }
0x5e: {  	_ =	shalt  }
0x5f: {  	_ =	shalt  }
0x60: {  	_ =	shalt  }
0x61: {  	_ =	shalt  }
0x62: {  	_ =	shalt  }
0x63: {  	_ =	shalt  }
0x64: {  	_ =	shalt  }
0x65: {  	_ =	shalt  }
0x66: {  	_ =	shalt  }
0x67: {  	_ =	shalt  }
0x68: {  	_ =	shalt  }
0x69: {  	_ =	shalt  }
0x6a: {  	_ =	shalt  }
0x6b: {  	_ =	shalt  }
0x6c: {  	_ =	shalt  }
0x6d: {  	_ =	shalt  }
0x6e: {  	_ =	shalt  }
0x6f: {  	_ =	shalt  }
0x70: {  	_ =	shalt  }
0x71: {  	_ =	shalt  }
0x72: {  	_ =	shalt  }
0x73: {  	_ =	shalt  }
0x74: {  	_ =	shalt  }
0x75: {  	_ =	shalt  }
0x76: {  	_ =	shalt  }
0x77: {  	_ =	shalt  }
0x78: {  	_ =	shalt  }
0x79: {  	_ =	shalt  }
0x7a: {  	_ =	shalt  }
0x7b: {  	_ =	shalt  }
0x7c: {  	_ =	shalt  }
0x7d: {  	_ =	shalt  }
0x7e: {  	_ =	shalt  }
0x7f: {  	_ =	shalt  }
0x80: {  	_ =	shalt  }
0x81: {  	_ =	shalt  }
0x82: {  	_ =	shalt  }
0x83: {  	_ =	shalt  }
0x84: {  	_ =	shalt  }
0x85: {  	_ =	shalt  }
0x86: {  	_ =	shalt  }
0x87: {  	_ =	shalt  }
.Lfunc_end0:
.L_simem_size_0:
called_computation_lowered:
.L_overlay_start_0:
0x88: {  	s2 =	sld [smem:$0x3FD9]  }
0x89: {  	s3 =	sld [smem:$0x3FFE];
	_ =	sdelay $0x1  }
0x8a: {  	s1 =	srdreg.scid  }
0x8b: {  	s0 =	sand.u32 $0x1, s1  }
0x8c: {  	s14 =	sshll.u32 s0, $0xA;
	s2 =	sadd.s32 s3, s2  }
0x8d: {  	s2 =	sadd.s32 s2, s14  }
0x8e: {  	[smem:$0x3FC5] =	sst s2  }
0x8f: {  	_ = 	snop  }
0x90: {  	s2 =	sld [smem:$0x3FD0];
	_ =	sdelay $0x2  }
0x91: {  	s4 =	simm.s32 $0xA;
	s5 =	simm.s32 $0x10;
	s15 =	sld [smem:$0x3FC8]  }
0x92: {  	[smem:s5], [sflag:s4] =	dma.local [hbm:s2], $0x1  }
0x93: {  	_ =	swait.eq [sflag:s4], $0x1  }
0x94: {  	[sflag:s4] =	ssyncset.done $0x0  }
0x95: {  	[sflag:s4] =	ssyncadd.s32 $0xFFFFFFFF  }
0x96: {  	s16 =	sld [smem:$0x11];
	(tm) =	ssettm $0x1  }
0x97: {  	s17 =	sld [smem:$0x3FFB];
	_ =	sdelay $0x3  }
0x98: {  	_ =	strace s17  }
0x99: {  	s4 =	sld [smem:$0x3FFC];
	_ =	sdelay $0x3  }
0x9a: {  	_ =	strace s4  }
0x9b: {  	s4 =	sld [smem:$0x3FFD];
	_ =	sdelay $0x3  }
0x9c: {  	_ =	strace s4  }
0x9d: {  	_ =	strace $0x8FFFFFFF  }
0x9e: {  	s18 =	sld [smem:$0x3FDB];
	_ =	sdelay $0x1  }
0x9f: {  	s19 =	simm.s32 $_scs_section_size  }
0xa0: {  	s6 =	simm.s32 $_size__tile_overlayer_lowered;
	s7 =	simm.s32 $_tile_overlayer_lowered  }
0xa1: {  	s22 =	simm.s32 $0x1BFF;
	s21 =	sshll.u32 s7, $0x1;
	s4 =	sadd.s32 s19, s18  }
0xa2: {  	s8 =	simm.s32 $0x0;
	s20 =	sshll.u32 s6, $0x1;
	s6 =	sadd.s32 s21, s4  }
0xa3: {  	[timem:s8], [sflag:s22] =	dma.local [hbm:s6], s20  }
0xa4: {  	_ =	swait.ge [sflag:s22], s20  }
0xa5: {  	s5 =	ssub.s32 $0x0, s20;
	[sflag:s22] =	ssyncset.done $0x0  }
0xa6: {  	[sflag:s22] =	ssyncadd.s32 s5;
	_ =	sdelay $0x1  }
0xa7: {  	s23 =	simm.s32 $0x1B8B  }
0xa8: {  	_ =	swait.ge [sflag:s23], $0x1  }
0xa9: {  	[sflag:s23] =	ssyncset.done $0x0  }
0xaa: {  	s25 =	simm.s32 $0x1B8E;
	s24 =	sld [smem:$0x3FFE];
	[sflag:s23] =	ssyncadd.s32 $0xFFFFFFFF  }
0xab: {  	s26 =	simm.s32 $execute0_lowered;
	[smem:$0x3FD2] =	sst s25  }
0xac: {  	s6 =	sshll.u32 s26, $0x1;
	_ =	strace $0x80000046;
	[dreg:$0x1] =	wrdreg $0xFFFFFFFF  }
0xad: {  	s28 =	simm.s32 $_size_execute0_lowered;
	s4 =	sadd.s32 s4, s6;
	[dreg:$0x0] =	wrdreg $0x0  }
0xae: {  	s6 =	sshll.u32 s28, $0x1;
	[dreg:$0x2] =	wrdreg s4  }
0xaf: {  	[dreg:$0x3] =	wrdreg s6  }
0xb0: {  	[dreg:$0x4] =	wrdreg $0xC0  }
0xb1: {  	_ =	task [dreg:s8], $0x5FFFF  }
0xb2: {  	[dreg:$0x1] =	wrdreg $0xFFFFFFFF  }
0xb3: {  	[dreg:$0x0] =	wrdreg $0x60  }
0xb4: {  	[dreg:$0x2] =	wrdreg s24  }
0xb5: {  	[dreg:$0x3] =	wrdreg s15  }
0xb6: {  	[dreg:$0x4] =	wrdreg s16  }
0xb7: {  	[dreg:$0x5] =	wrdreg $0x9  }
0xb8: {  	_ =	task.clear_ibuf [dreg:s8], $0x6FFFF;
	_ =	strace $0x90000046  }
0xb9: {  	s29 =	simm.s32 $0x9;
	_ =	strace $0x80000048  }
0xba: {  	_ =	swait.ge [sflag:s29], $0x1  }
0xbb: {  	[sflag:s29] =	ssyncadd.s32 $0xFFFFFFFF  }
0xbc: {  	_ =	strace $0x90000048  }
0xbd: {  	_ =	sfence  }
0xbe: {  	s30 =	sld [smem:$0x0];
	_ =	sdelay $0x2  }
0xbf: {  	s31 =	sshll.u32 s1, $0xD;
	s1 =	sshrl.u32 s1, $0x2  }
0xc0: {  	s3 =	sand.u32 $0x4000, s31;
	s1 =	sadd.s32 s1, s30  }
0xc1: {  	s0 =	sor.u32 s3, s0;
	s1 =	sshll.u32 s1, $0x11  }
0xc2: {  	s0 =	sor.u32 s1, s0  }
0xc3: {  	s0 =	sadd.s32 $0x8F2B, s0  }
0xc4: {  	[sflag:s0] =	ssyncadd.remote.s32 $0x1  }
0xc5: {  	_ =	sfence.sel $0xFFFF  }
0xc6: {  	[dreg:$0x0] =	wrdreg $0xFFFFFFFF;
	(pc) =	sbr.abs _section_cstart, $3  }
0xc7: {  	[dreg:$0x1] =	wrdreg $0xFFFFFFFF  }
0xc8: {  	_ =	task.clear_ibuf [dreg:s8], $0x2FFFF;
	_ =	strace $0x9FFFFFFF  }
0xc9: {  	(tm) =	ssettm $0x7FFFFFFF  }
tec
execute0_lowered:
.L_overlay_start_1:
0x0: {  	(tag) =	ssettag $0x1  }
0x1: {  	v0 =	vimm.s32 $0xEFCDAB89  }
0x2: {  	v1 =	vimm.s32 $0x67452301;
	v2 =	vimm.s32 $0xDCFE98BA;
	v3 =	vimm.s32 $0x54761032  }
0x3: {  	v4 =	vimm.s32 $0xCDEF89AB;
	v5 =	vimm.s32 $0x45670123;
	v6 =	vimm.s32 $0xBA98FEDC  }
0x4: {  	v7 =	vimm.s32 $0x32107654;
	v9 =	vimm.s32 $0x10325476;
	v10 =	vimm.s32 $0x89ABCDEF  }
0x5: {  	v11 =	vimm.s32 $0x1234567;
	v12 =	vimm.s32 $0x13121110;
	vm0 =	vcmask $0x1F10  }
0x6: {  	v13 =	vimm.s32 $0x1B1A1918;
	v0 =	vunpack.c.l.s4.s8 v0;
	v1 =	vunpack.c.l.s4.s8 v1  }
0x7: {  	v2 =	vunpack.c.l.s4.s8 v2;
	v3 =	vunpack.c.l.s4.s8 v3;
	v4 =	vunpack.c.l.s4.s8 v4  }
0x8: {  	v5 =	vunpack.c.l.s4.s8 v5;
	v6 =	vunpack.c.l.s4.s8 v6;
	v7 =	vunpack.c.l.s4.s8 v7  }
0x9: {  	v9 =	vunpack.c.l.s4.s8 v9;
	v10 =	vunpack.c.l.s4.s8 v10;
	v11 =	vunpack.c.l.s4.s8 v11  }
0xa: {  	s1 =	rddreg [dreg:$0x0];
	v0 =	vunpack.c.0.s8.s32 v0;
	v1 =	vunpack.c.0.s8.s32 v1;
	v4 =	vunpack.c.0.s8.s32 v4  }
0xb: {  	s0 =	rddreg [dreg:$0x1];
	v5 =	vunpack.c.0.s8.s32 v5;
	v6 =	vunpack.c.0.s8.s32 v6;
	v7 =	vunpack.c.0.s8.s32 v7  }
0xc: {  	s2 =	rddreg [dreg:$0x2];
	v2 =	vunpack.c.0.s8.s32 v2;
	v3 =	vunpack.c.0.s8.s32 v3;
	v8 =	vcombine.low v1, v0  }
0xd: {  	s4 =	simm.s32 $0x0;
	s3 =	srdreg.scid;
	s5 =	stileid.u32;
	v4 =	vcombine.low v5, v4;
	v5 =	vcombine.low v7, v6;
	v6 =	vimm.s32 $0xAB89EFCD  }
0xe: {  	s28 =	simm.s32 $0x3;
	s29 =	simm.s32 $0x4;
	s30 =	simm.s32 $0x6;
	v3 =	vcombine.low v3, v2;
	v7 =	vimm.s32 $0x23016745;
	v6 =	vunpack.c.l.s4.s8 v6  }
0xf: {  	s31 =	simm.s32 $0x7;
	s20 =	simm.s32 $0x0;
	[smem:$0x7FF] =	sst s4;
	v7 =	vunpack.c.l.s4.s8 v7;
	v2 =	vand.u32 $0xF, v8;
	v8 =	vimm.s32 $0x98BADCFE  }
0x10: {  	s3 =	sand.u32 $0x1, s3;
	s5 =	sshll.u32 s5, $0x1;
	s6 =	sadd.s32 $0x1000, s1;
	v12 =	vunpack.c.0.s8.s32 v12;
	v9 =	vunpack.c.0.s8.s32 v9;
	v8 =	vunpack.c.l.s4.s8 v8  }
0x11: {  	s8 =	sadd.s32 $0x1E9600, s1;
	_ =	strace $0x80000047;
	s9 =	sor.u32 s3, s5;
	v10 =	vunpack.c.0.s8.s32 v10;
	v6 =	vunpack.c.0.s8.s32 v6;
	v7 =	vunpack.c.0.s8.s32 v7  }
0x12: {  	s3 =	ssub.s32 $0x2, s3;
	s7 =	smul.u32 $0xC350, s9;
	s9 =	sshll.u32 s9, $0x1;
	v11 =	vunpack.c.0.s8.s32 v11;
	v0 =	vlaneseq.u32;
	v8 =	vunpack.c.0.s8.s32 v8  }
0x13: {  	s5 =	sadd.s32 $0x31E00, s1;
	s21 =	sshrl.u32 s3, $0x1;
	s1 =	sadd.s32 s9, s1;
	v1 =	vmul.u32 $0x20, v0;
	v6 =	vcombine.low v7, v6;
	v7 =	vimm.s32 $0x76543210  }
0x14: {  	s3 =	ssub.s32 s3, s21;
	s21 =	simm.s32 $0x50;
	s10 =	sshrl.u32 s7, $0x3;
	v3 =	vand.u32 $0xF, v3;
	v14 =	vunpack.c.l.s4.s8 v7;
	v8 =	vcombine.low v9, v8  }
0x15: {  	s12 =	sadd.s32 $0x320, s7;
	s16 =	sadd.s32 $0x62C00, s1;
	s22 =	sadd.s32 s5, s10;
	v9 =	vcombine.low v11, v10;
	v10 =	vimm.s32 $0x17161514;
	v11 =	vimm.s32 $0xFEDCBA98  }
0x16: {  	s17 =	sadd.s32 $0x62C40, s1;
	s23 =	sadd.s32 s6, s10;
	[dreg:$0x4] =	wrdreg s22;
	v7 =	vimm.s32 $0x1F1E1D1C;
	v10 =	vunpack.c.0.s8.s32 v10;
	v11 =	vunpack.c.l.s4.s8 v11  }
0x17: {  	s24 =	sadd.s32 s0, s10;
	s25 =	sadd.s32 $0x32, s10;
	v4 =	vand.u32 $0xF, v4;
	v5 =	vand.u32 $0xF, v5;
	[dreg:$0x5] =	wrdreg s23;
	v63 =	vunpack.c.0.s8.s32 v7  }
0x18: {  	s18 =	smax.u32 s3, $0x1;
	[dreg:$0x6] =	wrdreg s24;
	s10 =	sadd.s32 s5, s25;
	v12 =	vsel vm0, v10, v12;
	v10 =	vunpack.c.0.s8.s32 v11;
	v11 =	vunpack.c.0.s8.s32 v13  }
0x19: {  	s26 =	sadd.s32 s6, s25;
	s15 =	sadd.s32 s0, s25;
	s22 =	simm.s32 $0x960;
	v6 =	vand.u32 $0xF, v6;
	v14 =	vunpack.c.0.s8.s32 v14;
	v7 =	vand.u32 $0xF, v8  }
0x1a: {  	s23 =	simm.s32 $0x6D60;
	s25 =	simm.s32 $0x8;
	[dreg:$0x7] =	wrdreg s10;
	v8 =	vand.u32 $0xF, v9;
	v9 =	vand.u32 $0xF, v10;
	v11 =	vsel vm0, v63, v11  }
0x1b: {  	s24 =	simm.s32 $0x1;
	[dreg:$0x8] =	wrdreg s26;
	s26 =	simm.s32 $0x2;
	v10 =	vor.u32 $0x10, v0;
	v9 =	vcombine.low v9, v14;
	v11 =	vcombine.low v11, v12  }
.LBB2_1:
0x1c: {  	s1 =	rddreg [dreg:$0x4]  }
0x1d: {  	[tilespmem:s4], [sflag:$0x8] =	stream.linear.gather [hbm4b:s1+s4], $0x190, $0x38;
	[tilespmem:$0xD4A0] =	vst v63  }
0x1e: {  	_ =	swait.ge [sflag:s25], $0x190  }
0x1f: {  	[sflag:s25] =	ssyncset.done $0x0  }
0x20: {  	s3 =	simm.s32 $0x320;
	s14 =	rddreg [dreg:$0x5];
	[sflag:s25] =	ssyncadd.s32 $0xFFFFFE70  }
0x21: {  	[tilespmem:s3], [sflag:$0x8] =	stream.linear.gather [hbm4b:s14+s4], $0x190, $0x38;
	[tilespmem:$0xD4A0] =	vst v63  }
0x22: {  	_ =	swait.ge [sflag:s25], $0x190  }
0x23: {  	[sflag:s25] =	ssyncset.done $0x0  }
0x24: {  	s9 =	simm.s32 $0x640;
	s19 =	rddreg [dreg:$0x6];
	[sflag:s25] =	ssyncadd.s32 $0xFFFFFE70  }
0x25: {  	[tilespmem:s9], [sflag:$0x8] =	stream.linear.gather [hbm4b:s19+s4], $0x190, $0x38;
	[tilespmem:$0xD4A0] =	vst v63  }
0x26: {  	_ =	swait.ge [sflag:s25], $0x190  }
0x27: {  	[sflag:s25] =	ssyncset.done $0x0  }
0x28: {  	[sflag:s25] =	ssyncadd.s32 $0xFFFFFE70  }
0x29: {  	[tilespmem:s22], [sflag:$0x1] =	stream.indirect.gather [hbm4b:s8+s21], $0x20, s4, s21, $0xb8;
	[tilespmem:$0xD4A0] =	vst v63  }
0x2a: {  	_ = 	snop  }
0x2b: {  	[tilespmem:s23], [sflag:$0x3] =	stream.indirect.gather [hbm4b:s8+s21], $0x20, s3, s21, $0xb8;
	[tilespmem:$0xD4A0] =	vst v63  }
0x2c: {  	s3 =	simm.s32 $0x1360  }
0x2d: {  	[tilespmem:s3], [sflag:$0x2] =	stream.indirect.gather [hbm4b:s8+s21], $0x20, s21, s21, $0xb8;
	[tilespmem:$0xD4A0] =	vst v63  }
0x2e: {  	s10 =	simm.s32 $0x7760;
	s9 =	simm.s32 $0x370  }
0x2f: {  	[tilespmem:s10], [sflag:$0x4] =	stream.indirect.gather [hbm4b:s8+s21], $0x20, s9, s21, $0xb8;
	[tilespmem:$0xD4A0] =	vst v63  }
0x30: {  	s11 =	simm.s32 $0xA0;
	s13 =	simm.s32 $0x1D60  }
0x31: {  	[tilespmem:s13], [sflag:$0x1] =	stream.indirect.gather [hbm4b:s8+s21], $0x20, s11, s21, $0xb8;
	[tilespmem:$0xD4A0] =	vst v63  }
0x32: {  	s14 =	simm.s32 $0x3C0;
	s19 =	simm.s32 $0x8160  }
0x33: {  	[tilespmem:s19], [sflag:$0x3] =	stream.indirect.gather [hbm4b:s8+s21], $0x20, s14, s21, $0xb8;
	[tilespmem:$0xD4A0] =	vst v63  }
0x34: {  	s9 =	simm.s32 $0xF0;
	s10 =	simm.s32 $0x2760  }
0x35: {  	[tilespmem:s10], [sflag:$0x2] =	stream.indirect.gather [hbm4b:s8+s21], $0x20, s9, s21, $0xb8;
	[tilespmem:$0xD4A0] =	vst v63  }
0x36: {  	s11 =	simm.s32 $0x410;
	s13 =	simm.s32 $0x8B60  }
0x37: {  	[tilespmem:s13], [sflag:$0x4] =	stream.indirect.gather [hbm4b:s8+s21], $0x20, s11, s21, $0xb8;
	[tilespmem:$0xD4A0] =	vst v63  }
0x38: {  	s14 =	simm.s32 $0x140;
	s19 =	simm.s32 $0x3160  }
0x39: {  	[tilespmem:s19], [sflag:$0x1] =	stream.indirect.gather [hbm4b:s8+s21], $0x20, s14, s21, $0xb8;
	[tilespmem:$0xD4A0] =	vst v63  }
0x3a: {  	s3 =	simm.s32 $0x460;
	s9 =	simm.s32 $0x9560  }
0x3b: {  	[tilespmem:s9], [sflag:$0x3] =	stream.indirect.gather [hbm4b:s8+s21], $0x20, s3, s21, $0xb8;
	[tilespmem:$0xD4A0] =	vst v63  }
0x3c: {  	s10 =	rddreg [dreg:$0x7];
	s11 =	simm.s32 $0x190  }
0x3d: {  	[tilespmem:s11], [sflag:$0x5] =	stream.linear.gather [hbm4b:s10+s4], $0x190, $0x38;
	[tilespmem:$0xD4A0] =	vst v63  }
0x3e: {  	s13 =	rddreg [dreg:$0x8];
	s14 =	simm.s32 $0x4B0  }
0x3f: {  	[tilespmem:s14], [sflag:$0x5] =	stream.linear.gather [hbm4b:s13+s4], $0x190, $0x38;
	[tilespmem:$0xD4A0] =	vst v63  }
0x40: {  	p0 =	por $0x0, $0x0;
	s1 =	simm.s32 $0x0;
	s19 =	simm.s32 $0x7D0  }
0x41: {  	v12 =	vimm.f32 $0.0e+00;
	v13 =	vimm.f32 $0.0e+00;
	[tilespmem:s19], [sflag:$0x5] =	stream.linear.gather [hbm4b:s15+s4], $0x190, $0x38;
	[tilespmem:$0xD4A0] =	vst v63  }
.LBB2_2:
0x42: {  	_ =	swait.ge [sflag:s24], $0x1E00  }
0x43: {  	[sflag:s24] =	ssyncset.done $0x0  }
0x44: {  	[sflag:s24] =	ssyncadd.s32 $0xFFFFE200  }
0x45: {  	_ =	swait.ge [sflag:s26], $0x1400  }
0x46: {  	[sflag:s26] =	ssyncset.done $0x0  }
0x47: {  	[sflag:s26] =	ssyncadd.s32 $0xFFFFEC00  }
0x48: {  	_ =	swait.ge [sflag:s28], $0x1E00  }
0x49: {  	[sflag:s28] =	ssyncset.done $0x0  }
0x4a: {  	[sflag:s28] =	ssyncadd.s32 $0xFFFFE200  }
0x4b: {  	_ =	swait.ge [sflag:s29], $0x1400  }
0x4c: {  	p3 =	seq.s32 s1, $0x7C;
	[sflag:s29] =	ssyncset.done $0x0  }
0x4d: {  	s9 =	simm.s32 @!p3 $0x5;
	[sflag:s29] =	ssyncadd.s32 $0xFFFFEC00  }
0x4e: {  	_ =	swait.ge @!p3 [sflag:s9], $0x190  }
0x4f: {  	[sflag:s9] =	ssyncset.done @!p3 $0x0  }
0x50: {  	[sflag:s9] =	ssyncadd.s32 @!p3 $0xFFFFFE70  }
0x51: {  	_ =	swait.ge @!p3 [sflag:s9], $0x190  }
0x52: {  	s3 =	sand.u32 $0x1, s1;
	[sflag:s9] =	ssyncset.done @!p3 $0x0  }
0x53: {  	s10 =	sxor.u32 @!p3 $0x1, s3;
	[sflag:s9] =	ssyncadd.s32 @!p3 $0xFFFFFE70  }
0x54: {  	s11 =	smul.u32 @!p3 $0x3200, s10;
	_ =	swait.ge @!p3 [sflag:s9], $0x190  }
0x55: {  	s10 =	smul.u32 @!p3 $0x190, s10;
	[sflag:s9] =	ssyncset.done @!p3 $0x0  }
0x56: {  	s13 =	simm.s32 @!p3 $0x50;
	[sflag:s9] =	ssyncadd.s32 @!p3 $0xFFFFFE70;
	s9 =	sadd.s32 @!p3 $0x960, s11  }
0x57: {  	[tilespmem:s9], [sflag:$0x1] =	stream.indirect.gather @!p3 [hbm4b:s8+s13], $0x20, s10, s13, $0xb8;
	[tilespmem:$0xD4A0] =	vst v63  }
0x58: {  	s9 =	sadd.s32 @!p3 $0x6D60, s11;
	s11 =	sadd.s32 @!p3 $0x320, s10  }
0x59: {  	[tilespmem:s9], [sflag:$0x3] =	stream.indirect.gather @!p3 [hbm4b:s8+s13], $0x20, s11, s13, $0xb8;
	[tilespmem:$0xD4A0] =	vst v63  }
0x5a: {  	s9 =	sadd.s32 @!p3 $0x50, s10  }
0x5b: {  	s11 =	sshll.u32 @!p3 s9, $0x5  }
0x5c: {  	s19 =	sadd.s32 @!p3 $0x960, s11  }
0x5d: {  	[tilespmem:s19], [sflag:$0x2] =	stream.indirect.gather @!p3 [hbm4b:s8+s13], $0x20, s9, s13, $0xb8;
	[tilespmem:$0xD4A0] =	vst v63  }
0x5e: {  	s9 =	sadd.s32 @!p3 $0x6D60, s11;
	s11 =	sadd.s32 @!p3 $0x370, s10  }
0x5f: {  	[tilespmem:s9], [sflag:$0x4] =	stream.indirect.gather @!p3 [hbm4b:s8+s13], $0x20, s11, s13, $0xb8;
	[tilespmem:$0xD4A0] =	vst v63  }
0x60: {  	s9 =	sadd.s32 @!p3 $0xA0, s10  }
0x61: {  	s11 =	sshll.u32 @!p3 s9, $0x5  }
0x62: {  	s19 =	sadd.s32 @!p3 $0x960, s11  }
0x63: {  	[tilespmem:s19], [sflag:$0x1] =	stream.indirect.gather @!p3 [hbm4b:s8+s13], $0x20, s9, s13, $0xb8;
	[tilespmem:$0xD4A0] =	vst v63  }
0x64: {  	s9 =	sadd.s32 @!p3 $0x6D60, s11;
	s11 =	sadd.s32 @!p3 $0x3C0, s10  }
0x65: {  	[tilespmem:s9], [sflag:$0x3] =	stream.indirect.gather @!p3 [hbm4b:s8+s13], $0x20, s11, s13, $0xb8;
	[tilespmem:$0xD4A0] =	vst v63  }
0x66: {  	s9 =	sadd.s32 @!p3 $0xF0, s10  }
0x67: {  	s11 =	sshll.u32 @!p3 s9, $0x5  }
0x68: {  	s19 =	sadd.s32 @!p3 $0x960, s11  }
0x69: {  	[tilespmem:s19], [sflag:$0x2] =	stream.indirect.gather @!p3 [hbm4b:s8+s13], $0x20, s9, s13, $0xb8;
	[tilespmem:$0xD4A0] =	vst v63  }
0x6a: {  	s9 =	sadd.s32 @!p3 $0x6D60, s11;
	s11 =	sadd.s32 @!p3 $0x410, s10  }
0x6b: {  	[tilespmem:s9], [sflag:$0x4] =	stream.indirect.gather @!p3 [hbm4b:s8+s13], $0x20, s11, s13, $0xb8;
	[tilespmem:$0xD4A0] =	vst v63  }
0x6c: {  	s9 =	sadd.s32 @!p3 $0x140, s10  }
0x6d: {  	s11 =	sshll.u32 @!p3 s9, $0x5  }
0x6e: {  	s19 =	sadd.s32 @!p3 $0x960, s11  }
0x6f: {  	[tilespmem:s19], [sflag:$0x1] =	stream.indirect.gather @!p3 [hbm4b:s8+s13], $0x20, s9, s13, $0xb8;
	[tilespmem:$0xD4A0] =	vst v63  }
0x70: {  	s10 =	sadd.s32 @!p3 $0x460, s10;
	s9 =	sadd.s32 @!p3 $0x6D60, s11  }
0x71: {  	[tilespmem:s9], [sflag:$0x3] =	stream.indirect.gather @!p3 [hbm4b:s8+s13], $0x20, s10, s13, $0xb8;
	[tilespmem:$0xD4A0] =	vst v63  }
0x72: {  	p2 =	sgt.u32 @!p3 s1, $0x7A;
	s9 =	smul.u32 $0x190, s1  }
0x73: {  	p4 =	por p2, p3  }
0x74: {  	s10 =	sadd.s32 @!p4 s9, s12  }
0x75: {  	s11 =	smul.u32 @!p4 $0x190, s3;
	s13 =	sshrl.u32 @!p4 s10, $0x3  }
0x76: {  	s14 =	simm.s32 @!p4 $0x0;
	s10 =	simm.s32 $0x1;
	s19 =	sadd.s32 @!p4 s5, s13  }
0x77: {  	[tilespmem:s11], [sflag:$0x5] =	stream.linear.gather @!p4 [hbm4b:s19+s14], $0x190, $0x38;
	[tilespmem:$0xD4A0] =	vst v63  }
0x78: {  	s10 =	simm.s32 @!p0 $0x0;
	s13 =	sadd.s32 @!p4 s6, s13;
	s11 =	sadd.s32 @!p4 $0x320, s11  }
0x79: {  	[tilespmem:s11], [sflag:$0x5] =	stream.linear.gather @!p4 [hbm4b:s13+s14], $0x190, $0x38;
	[tilespmem:$0xD4A0] =	vst v63  }
0x7a: {  	p5 =	slt.u32 s1, $0x2;
	s11 =	smul.u32 $0x190, s10  }
0x7b: {  	p1 =	sne.s32 @!p5 s3, $0x0  }
0x7c: {  	p6 =	por p1, p5;
	v14 =	vmov s11  }
0x7d: {  	s13 =	simm.s32 @!p6 $0x6;
	v14 =	vshll.u32 v14, $0x5  }
0x7e: {  	p1 =	seq.s32 s3, $0x1;
	_ =	swait.ge @!p6 [sflag:s13], $0x190;
	v17 =	vor.u32 v1, v14  }
0x7f: {  	p5 =	por !p1, p5;
	[sflag:s13] =	ssyncset.done @!p6 $0x0;
	v16 =	vor.u32 v0, v17  }
0x80: {  	[sflag:s13] =	ssyncadd.s32 @!p6 $0xFFFFFE70;
	s13 =	simm.s32 @!p5 $0x7  }
0x81: {  	_ =	swait.ge @!p5 [sflag:s13], $0x190;
	v14 =	vor.u32 v2, v17  }
0x82: {  	[sflag:s13] =	ssyncset.done @!p5 $0x0  }
0x83: {  	v15 =	vor.u32 v3, v17;
	[sflag:s13] =	ssyncadd.s32 @!p5 $0xFFFFFE70  }
0x84: {  	v18 =	vld.idx.msk [tilespmem:v16+s23+$0x0], $0xffff  }
0x85: {  	v20 =	vor.u32 v4, v17;
	v19 =	vld.idx.msk [tilespmem:v16+s22+$0x0], $0xffff  }
0x86: {  	v21 =	vld.idx.msk [tilespmem:v14+s22+$0x0], $0xffff  }
0x87: {  	v22 =	vor.u32 v5, v17;
	v14 =	vld.idx.msk [tilespmem:v14+s23+$0x0], $0xffff  }
0x88: {  	v23 =	vld.idx.msk [tilespmem:v15+s22+$0x0], $0xffff  }
0x89: {  	v24 =	vor.u32 v6, v17;
	v15 =	vld.idx.msk [tilespmem:v15+s23+$0x0], $0xffff  }
0x8a: {  	v25 =	vld.idx.msk [tilespmem:v20+s22+$0x0], $0xffff  }
0x8b: {  	v26 =	vor.u32 v7, v17;
	v20 =	vld.idx.msk [tilespmem:v20+s23+$0x0], $0xffff;
	v18 =	vmul.f32 v18, v19  }
0x8c: {  	v28 =	vld.idx.msk [tilespmem:v22+s22+$0x0], $0xffff;
	v19 =	vmul.f32 v19, v19;
	v27 =	vmul.f32 v21, v21  }
0x8d: {  	v14 =	vmul.f32 v14, v21;
	v21 =	vld.idx.msk [tilespmem:v22+s23+$0x0], $0xffff;
	v22 =	vor.u32 v8, v17;
	v18 =	vadd.f32 $0.0e+00, v18  }
0x8e: {  	v29 =	vld.idx.msk [tilespmem:v24+s22+$0x0], $0xffff;
	v19 =	vadd.f32 v27, v19;
	v27 =	vmul.f32 v23, v23  }
0x8f: {  	v15 =	vmul.f32 v15, v23;
	v23 =	vor.u32 v9, v17;
	v14 =	vadd.f32 v14, v18;
	v18 =	vld.idx.msk [tilespmem:v24+s23+$0x0], $0xffff  }
0x90: {  	v19 =	vadd.f32 v27, v19;
	v24 =	vmul.f32 v25, v25;
	v27 =	vld.idx.msk [tilespmem:v26+s22+$0x0], $0xffff  }
0x91: {  	v14 =	vadd.f32 v15, v14;
	v15 =	vmul.f32 v20, v25;
	v20 =	vld.idx.msk [tilespmem:v26+s23+$0x0], $0xffff;
	v25 =	vxor.u32 $0x9, v16  }
0x92: {  	v19 =	vadd.f32 v24, v19;
	v24 =	vmul.f32 v28, v28;
	v26 =	vld.idx.msk [tilespmem:v22+s22+$0x0], $0xffff  }
0x93: {  	v14 =	vadd.f32 v15, v14;
	v15 =	vmul.f32 v21, v28;
	v21 =	vld.idx.msk [tilespmem:v22+s23+$0x0], $0xffff;
	v22 =	vxor.u32 $0xA, v16  }
0x94: {  	v19 =	vadd.f32 v24, v19;
	v24 =	vmul.f32 v29, v29;
	v28 =	vld.idx.msk [tilespmem:v23+s22+$0x0], $0xffff  }
0x95: {  	v14 =	vadd.f32 v15, v14;
	v15 =	vmul.f32 v18, v29;
	v18 =	vld.idx.msk [tilespmem:v23+s23+$0x0], $0xffff;
	v23 =	vxor.u32 $0xB, v16  }
0x96: {  	v19 =	vadd.f32 v24, v19;
	v24 =	vmul.f32 v27, v27;
	v29 =	vld.idx.msk [tilespmem:v25+s22+$0x0], $0xffff  }
0x97: {  	v14 =	vadd.f32 v15, v14;
	v15 =	vmul.f32 v20, v27;
	v20 =	vld.idx.msk [tilespmem:v25+s23+$0x0], $0xffff;
	v25 =	vxor.u32 $0xC, v16  }
0x98: {  	v19 =	vadd.f32 v24, v19;
	v24 =	vmul.f32 v26, v26;
	v27 =	vld.idx.msk [tilespmem:v22+s22+$0x0], $0xffff  }
0x99: {  	v14 =	vadd.f32 v15, v14;
	v15 =	vmul.f32 v21, v26;
	v21 =	vld.idx.msk [tilespmem:v22+s23+$0x0], $0xffff;
	v22 =	vxor.u32 $0xD, v16  }
0x9a: {  	v19 =	vadd.f32 v24, v19;
	v24 =	vmul.f32 v28, v28;
	v26 =	vld.idx.msk [tilespmem:v23+s22+$0x0], $0xffff  }
0x9b: {  	v14 =	vadd.f32 v15, v14;
	v15 =	vmul.f32 v18, v28;
	v18 =	vld.idx.msk [tilespmem:v23+s23+$0x0], $0xffff;
	v23 =	vxor.u32 $0xE, v16  }
0x9c: {  	v19 =	vadd.f32 v24, v19;
	v24 =	vmul.f32 v29, v29;
	v28 =	vld.idx.msk [tilespmem:v25+s22+$0x0], $0xffff  }
0x9d: {  	v14 =	vadd.f32 v15, v14;
	v15 =	vmul.f32 v20, v29;
	v20 =	vld.idx.msk [tilespmem:v25+s23+$0x0], $0xffff;
	v25 =	vxor.u32 $0xF, v16  }
0x9e: {  	v19 =	vadd.f32 v24, v19;
	v24 =	vmul.f32 v27, v27;
	v29 =	vld.idx.msk [tilespmem:v22+s22+$0x0], $0xffff  }
0x9f: {  	v14 =	vadd.f32 v15, v14;
	v15 =	vmul.f32 v21, v27;
	v21 =	vld.idx.msk [tilespmem:v22+s23+$0x0], $0xffff;
	v22 =	vor.u32 v10, v17  }
0xa0: {  	v19 =	vadd.f32 v24, v19;
	v24 =	vmul.f32 v26, v26;
	v27 =	vld.idx.msk [tilespmem:v23+s22+$0x0], $0xffff  }
0xa1: {  	v23 =	vld.idx.msk [tilespmem:v23+s23+$0x0], $0xffff;
	v14 =	vadd.f32 v15, v14;
	v15 =	vmul.f32 v18, v26;
	v26 =	vxor.u32 $0x11, v16  }
0xa2: {  	v18 =	vadd.f32 v24, v19;
	v19 =	vmul.f32 v28, v28;
	v24 =	vld.idx.msk [tilespmem:v25+s22+$0x0], $0xffff  }
0xa3: {  	v25 =	vld.idx.msk [tilespmem:v25+s23+$0x0], $0xffff;
	v14 =	vadd.f32 v15, v14;
	v15 =	vmul.f32 v20, v28;
	v28 =	vxor.u32 $0x12, v16  }
0xa4: {  	v18 =	vadd.f32 v19, v18;
	v19 =	vmul.f32 v29, v29;
	v30 =	vld.idx.msk [tilespmem:v22+s22+$0x0], $0xffff  }
0xa5: {  	v22 =	vld.idx.msk [tilespmem:v22+s23+$0x0], $0xffff;
	v14 =	vadd.f32 v15, v14;
	v15 =	vmul.f32 v21, v29;
	v29 =	vxor.u32 $0x13, v16  }
0xa6: {  	s10 =	smul.u32 $0x640, s10;
	v21 =	vadd.f32 v19, v18;
	v31 =	vmul.f32 v27, v27;
	v18 =	vld.idx.msk [tilespmem:v26+s22+$0x0], $0xffff  }
0xa7: {  	v20 =	vxor.u32 $0x14, v16;
	v23 =	vmul.f32 v23, v27;
	v19 =	vld.idx.msk [tilespmem:v26+s23+$0x0], $0xffff;
	v15 =	vadd.f32 v15, v14  }
0xa8: {  	s10 =	sshrl.u32 s10, $0x2;
	v27 =	vadd.f32 v31, v21;
	v31 =	vmul.f32 v24, v24;
	v26 =	vld.idx.msk [tilespmem:v28+s22+$0x0], $0xffff  }
0xa9: {  	p2 =	por !p2, p3;
	s19 =	sadd.s32 $0xD160, s10;
	s10 =	sadd.s32 $0x640, s10;
	v24 =	vmul.f32 v25, v24;
	v21 =	vld.idx.msk [tilespmem:v28+s23+$0x0], $0xffff;
	v32 =	vadd.f32 v23, v15;
	v23 =	vxor.u32 $0x15, v16  }
0xaa: {  	s9 =	sadd.s32 s7, s9;
	p4 =	por @!p4 $0x1, $0x1;
	p5 =	por @!p3 $0x0, $0x0;
	v14 =	vmov s10;
	v31 =	vadd.f32 v31, v27;
	v33 =	vmul.f32 v30, v30;
	v28 =	vld.idx.msk [tilespmem:v29+s22+$0x0], $0xffff  }
0xab: {  	s13 =	simm.s32 $0x80;
	p4 =	por @!p2 p5, p5;
	p2 =	por $0x0, $0x0;
	v27 =	vmul.f32 v22, v30;
	v22 =	vld.idx.msk [tilespmem:v29+s23+$0x0], $0xffff;
	v25 =	vadd.f32 v24, v32;
	v24 =	vxor.u32 $0x16, v16  }
0xac: {  	p2 =	por @!p3 p4, p4;
	s10 =	simm.s32 $0x40;
	v15 =	vmov s19;
	s19 =	simm.s32 $0x0;
	v29 =	vld.idx.msk [tilespmem:v20+s22+$0x0], $0xffff;
	v33 =	vadd.f32 v33, v31;
	v34 =	vmul.f32 v18, v18  }
.LBB2_3:
0xad: {  	p3 =	sne.s32 s13, $0x600;
	v25 =	vadd.f32 v27, v25;
	v18 =	vmul.f32 v19, v18;
	v19 =	vld.idx.msk [tilespmem:v20+s23+$0x0], $0xffff;
	v20 =	vxor.u32 $0x17, v16  }
0xae: {  	v30 =	vmul.f32 v26, v26;
	v27 =	vadd.f32 v34, v33;
	v31 =	vld.idx.msk [tilespmem:v23+s22+$0x0], $0xffff  }
0xaf: {  	v17 =	vor.u32 v11, v17;
	v21 =	vmul.f32 v21, v26;
	v18 =	vadd.f32 v18, v25;
	v23 =	vld.idx.msk [tilespmem:v23+s23+$0x0], $0xffff  }
0xb0: {  	v26 =	vmul.f32 v28, v28;
	v25 =	vadd.f32 v30, v27;
	v27 =	vld.idx.msk [tilespmem:v24+s22+$0x0], $0xffff  }
0xb1: {  	v18 =	vadd.f32 v21, v18;
	v21 =	vmul.f32 v22, v28;
	v22 =	vld.idx.msk [tilespmem:v24+s23+$0x0], $0xffff;
	v24 =	vxor.u32 $0x19, v16  }
0xb2: {  	v25 =	vadd.f32 v26, v25;
	v26 =	vmul.f32 v29, v29;
	v28 =	vld.idx.msk [tilespmem:v20+s22+$0x0], $0xffff  }
0xb3: {  	v19 =	vmul.f32 v19, v29;
	v18 =	vadd.f32 v21, v18;
	v20 =	vld.idx.msk [tilespmem:v20+s23+$0x0], $0xffff;
	v21 =	vxor.u32 $0x1A, v16  }
0xb4: {  	v25 =	vadd.f32 v26, v25;
	v26 =	vmul.f32 v31, v31;
	v29 =	vld.idx.msk [tilespmem:v17+s22+$0x0], $0xffff  }
0xb5: {  	v18 =	vadd.f32 v19, v18;
	v19 =	vmul.f32 v23, v31;
	v17 =	vld.idx.msk [tilespmem:v17+s23+$0x0], $0xffff;
	v23 =	vxor.u32 $0x1B, v16  }
0xb6: {  	v25 =	vadd.f32 v26, v25;
	v26 =	vmul.f32 v27, v27;
	v30 =	vld.idx.msk [tilespmem:v24+s22+$0x0], $0xffff  }
0xb7: {  	v18 =	vadd.f32 v19, v18;
	v19 =	vmul.f32 v22, v27;
	v22 =	vld.idx.msk [tilespmem:v24+s23+$0x0], $0xffff;
	v24 =	vxor.u32 $0x1C, v16  }
0xb8: {  	v25 =	vadd.f32 v26, v25;
	v26 =	vmul.f32 v28, v28;
	v27 =	vld.idx.msk [tilespmem:v21+s22+$0x0], $0xffff  }
0xb9: {  	v18 =	vadd.f32 v19, v18;
	v19 =	vmul.f32 v20, v28;
	v20 =	vld.idx.msk [tilespmem:v21+s23+$0x0], $0xffff;
	v21 =	vxor.u32 $0x1D, v16  }
0xba: {  	v25 =	vadd.f32 v26, v25;
	v26 =	vmul.f32 v29, v29;
	v28 =	vld.idx.msk [tilespmem:v23+s22+$0x0], $0xffff  }
0xbb: {  	v17 =	vmul.f32 v17, v29;
	v18 =	vadd.f32 v19, v18;
	v19 =	vld.idx.msk [tilespmem:v23+s23+$0x0], $0xffff;
	v23 =	vxor.u32 $0x1E, v16  }
0xbc: {  	v25 =	vadd.f32 v26, v25;
	v26 =	vmul.f32 v30, v30;
	v29 =	vld.idx.msk [tilespmem:v24+s22+$0x0], $0xffff  }
0xbd: {  	v16 =	vxor.u32 $0x1F, v16;
	v17 =	vadd.f32 v17, v18;
	v18 =	vmul.f32 v22, v30;
	v22 =	vld.idx.msk [tilespmem:v24+s23+$0x0], $0xffff  }
0xbe: {  	v24 =	vadd.f32 v26, v25;
	v25 =	vmul.f32 v27, v27;
	v26 =	vld.idx.msk [tilespmem:v21+s22+$0x0], $0xffff  }
0xbf: {  	v17 =	vadd.f32 v18, v17;
	v18 =	vmul.f32 v20, v27;
	v20 =	vld.idx.msk [tilespmem:v21+s23+$0x0], $0xffff  }
0xc0: {  	v21 =	vadd.f32 v25, v24;
	v24 =	vmul.f32 v28, v28;
	v25 =	vld.idx.msk [tilespmem:v23+s22+$0x0], $0xffff  }
0xc1: {  	v17 =	vadd.f32 v18, v17;
	v18 =	vmul.f32 v19, v28;
	v19 =	vld.idx.msk [tilespmem:v23+s23+$0x0], $0xffff  }
0xc2: {  	v23 =	vmul.f32 v29, v29;
	v21 =	vadd.f32 v24, v21;
	v24 =	vld.idx.msk [tilespmem:v16+s22+$0x0], $0xffff  }
0xc3: {  	v17 =	vadd.f32 v18, v17;
	v18 =	vmul.f32 v22, v29;
	v22 =	vld.idx.msk [tilespmem:v16+s23+$0x0], $0xffff  }
0xc4: {  	v16 =	vadd.f32 v23, v21;
	v21 =	vmul.f32 v26, v26  }
0xc5: {  	s11 =	sadd.s32 $0x10, s11;
	v17 =	vadd.f32 v18, v17;
	v18 =	vmul.f32 v20, v26  }
0xc6: {  	v20 =	vmov s11;
	v16 =	vadd.f32 v21, v16;
	v21 =	vmul.f32 v25, v25  }
0xc7: {  	v20 =	vshll.u32 v20, $0x5;
	v19 =	vmul.f32 v19, v25;
	v18 =	vadd.f32 v18, v17  }
0xc8: {  	v17 =	vor.u32 v1, v20;
	v20 =	vadd.f32 v21, v16;
	v21 =	vmul.f32 v24, v24  }
0xc9: {  	v16 =	vor.u32 v0, v17;
	v18 =	vadd.f32 v19, v18;
	v19 =	vmul.f32 v22, v24  }
0xca: {  	v20 =	vadd.f32 v21, v20  }
0xcb: {  	v21 =	vor.u32 v2, v17;
	v19 =	vadd.f32 v19, v18  }
0xcc: {  	s14 =	sshra.s32 s19, $0x2;
	s19 =	smov.u32 s10;
	s10 =	smov.u32 s13;
	v18 =	vmax.f32 v20, $1.000000000e-30  }
0xcd: {  	v20 =	vor.u32 v3, v17;
	v22 =	vld.idx.msk [tilespmem:v14+s14+$0x0 ss:$0x1], $0xffff;
	[tilespmem:v15+s14+$0x0 ss:$0x1] =	vst.idx.msk $0xffff, v19;
	v23 =	vshrl.u32 v18, $0x1;
	v24 =	vmul.f32 $5.000000000e-01, v18  }
0xce: {  	v25 =	vld.idx.msk [tilespmem:v16+s23+$0x0], $0xffff;
	v23 =	vsub.s32 $0x5F3759DF, v23  }
0xcf: {  	v27 =	vor.u32 v4, v17;
	v26 =	vld.idx.msk [tilespmem:v16+s22+$0x0], $0xffff;
	v28 =	vmul.f32 v23, v24  }
0xd0: {  	v29 =	vld.idx.msk [tilespmem:v21+s22+$0x0], $0xffff  }
0xd1: {  	v30 =	vor.u32 v5, v17;
	v21 =	vld.idx.msk [tilespmem:v21+s23+$0x0], $0xffff;
	v28 =	vmul.f32 v23, v28  }
0xd2: {  	v31 =	vld.idx.msk [tilespmem:v20+s22+$0x0], $0xffff  }
0xd3: {  	v32 =	vor.u32 v6, v17;
	v19 =	vsub.f32 v22, v19;
	v20 =	vld.idx.msk [tilespmem:v20+s23+$0x0], $0xffff;
	v22 =	vsub.f32 $1.500000000e+00, v28  }
0xd4: {  	v28 =	vld.idx.msk [tilespmem:v27+s22+$0x0], $0xffff  }
0xd5: {  	v33 =	vor.u32 v7, v17;
	v25 =	vmul.f32 v25, v26;
	v26 =	vmul.f32 v26, v26;
	v27 =	vld.idx.msk [tilespmem:v27+s23+$0x0], $0xffff  }
0xd6: {  	v34 =	vmul.f32 v29, v29;
	v22 =	vmul.f32 v23, v22;
	v35 =	vld.idx.msk [tilespmem:v30+s22+$0x0], $0xffff  }
0xd7: {  	v23 =	vadd.f32 $0.0e+00, v25;
	v21 =	vmul.f32 v21, v29;
	v29 =	vor.u32 v8, v17;
	v25 =	vld.idx.msk [tilespmem:v30+s23+$0x0], $0xffff  }
0xd8: {  	v26 =	vadd.f32 v34, v26;
	v30 =	vmul.f32 v31, v31;
	v36 =	vmul.f32 v22, v24;
	v34 =	vld.idx.msk [tilespmem:v32+s22+$0x0], $0xffff  }
0xd9: {  	v21 =	vadd.f32 v21, v23;
	v20 =	vmul.f32 v20, v31;
	v31 =	vor.u32 v9, v17;
	v23 =	vld.idx.msk [tilespmem:v32+s23+$0x0], $0xffff  }
0xda: {  	v26 =	vadd.f32 v30, v26;
	v30 =	vmul.f32 v28, v28;
	v36 =	vmul.f32 v36, v22;
	v32 =	vld.idx.msk [tilespmem:v33+s22+$0x0], $0xffff  }
0xdb: {  	v20 =	vadd.f32 v20, v21;
	v21 =	vmul.f32 v27, v28;
	v28 =	vxor.u32 $0x9, v16;
	v27 =	vld.idx.msk [tilespmem:v33+s23+$0x0], $0xffff  }
0xdc: {  	v26 =	vadd.f32 v30, v26;
	v30 =	vmul.f32 v35, v35;
	v36 =	vsub.f32 $1.500000000e+00, v36;
	v33 =	vld.idx.msk [tilespmem:v29+s22+$0x0], $0xffff  }
0xdd: {  	v20 =	vadd.f32 v21, v20;
	v21 =	vmul.f32 v25, v35;
	v25 =	vld.idx.msk [tilespmem:v29+s23+$0x0], $0xffff;
	v29 =	vxor.u32 $0xA, v16  }
0xde: {  	v26 =	vadd.f32 v30, v26;
	v30 =	vmul.f32 v34, v34;
	v22 =	vmul.f32 v36, v22;
	v35 =	vld.idx.msk [tilespmem:v31+s22+$0x0], $0xffff  }
0xdf: {  	v20 =	vadd.f32 v21, v20;
	v21 =	vmul.f32 v23, v34;
	v23 =	vld.idx.msk [tilespmem:v31+s23+$0x0], $0xffff;
	v31 =	vxor.u32 $0xB, v16  }
0xe0: {  	v26 =	vadd.f32 v30, v26;
	v30 =	vmul.f32 v32, v32;
	v24 =	vmul.f32 v22, v24;
	v34 =	vld.idx.msk [tilespmem:v28+s22+$0x0], $0xffff  }
0xe1: {  	v20 =	vadd.f32 v21, v20;
	v21 =	vmul.f32 v27, v32;
	v27 =	vld.idx.msk [tilespmem:v28+s23+$0x0], $0xffff;
	v28 =	vxor.u32 $0xC, v16  }
0xe2: {  	v26 =	vadd.f32 v30, v26;
	v30 =	vmul.f32 v33, v33;
	v24 =	vmul.f32 v24, v22;
	v32 =	vld.idx.msk [tilespmem:v29+s22+$0x0], $0xffff  }
0xe3: {  	v20 =	vadd.f32 v21, v20;
	v21 =	vmul.f32 v25, v33;
	v25 =	vld.idx.msk [tilespmem:v29+s23+$0x0], $0xffff;
	v29 =	vxor.u32 $0xD, v16  }
0xe4: {  	v26 =	vadd.f32 v30, v26;
	v30 =	vmul.f32 v35, v35;
	v24 =	vsub.f32 $1.500000000e+00, v24;
	v33 =	vld.idx.msk [tilespmem:v31+s22+$0x0], $0xffff  }
0xe5: {  	v20 =	vadd.f32 v21, v20;
	v21 =	vmul.f32 v23, v35;
	v23 =	vld.idx.msk [tilespmem:v31+s23+$0x0], $0xffff;
	v31 =	vxor.u32 $0xE, v16  }
0xe6: {  	v26 =	vadd.f32 v30, v26;
	v30 =	vmul.f32 v34, v34;
	v22 =	vmul.f32 v24, v22;
	v35 =	vld.idx.msk [tilespmem:v28+s22+$0x0], $0xffff  }
0xe7: {  	v20 =	vadd.f32 v21, v20;
	v21 =	vmul.f32 v27, v34;
	v27 =	vxor.u32 $0xF, v16;
	v24 =	vld.idx.msk [tilespmem:v28+s23+$0x0], $0xffff  }
0xe8: {  	v26 =	vadd.f32 v30, v26;
	v28 =	vmul.f32 v32, v32;
	v18 =	vmul.f32 v22, v18;
	v30 =	vld.idx.msk [tilespmem:v29+s22+$0x0], $0xffff  }
0xe9: {  	v20 =	vadd.f32 v21, v20;
	v21 =	vmul.f32 v25, v32;
	v25 =	vor.u32 v10, v17;
	v22 =	vld.idx.msk [tilespmem:v29+s23+$0x0], $0xffff  }
0xea: {  	v19 =	vmul.f32 v19, v19;
	v26 =	vadd.f32 v28, v26;
	v28 =	vmul.f32 v33, v33;
	v29 =	vld.idx.msk [tilespmem:v31+s22+$0x0], $0xffff  }
0xeb: {  	v20 =	vadd.f32 v21, v20;
	v21 =	vmul.f32 v23, v33;
	v23 =	vld.idx.msk [tilespmem:v31+s23+$0x0], $0xffff;
	v31 =	vxor.u32 $0x11, v16  }
0xec: {  	v12 =	vadd.f32 v18, v12;
	v26 =	vadd.f32 v28, v26;
	v28 =	vmul.f32 v35, v35;
	v32 =	vld.idx.msk [tilespmem:v27+s22+$0x0], $0xffff  }
0xed: {  	v18 =	vadd.f32 v21, v20;
	v20 =	vmul.f32 v24, v35;
	v24 =	vxor.u32 $0x12, v16;
	v21 =	vld.idx.msk [tilespmem:v27+s23+$0x0], $0xffff  }
0xee: {  	v13 =	vadd.f32 v19, v13;
	v26 =	vadd.f32 v28, v26;
	v27 =	vmul.f32 v30, v30;
	v33 =	vld.idx.msk [tilespmem:v25+s22+$0x0], $0xffff  }
0xef: {  	v19 =	vadd.f32 v20, v18;
	v20 =	vmul.f32 v22, v30;
	v30 =	vxor.u32 $0x13, v16;
	v22 =	vld.idx.msk [tilespmem:v25+s23+$0x0], $0xffff  }
0xf0: {  	v25 =	vadd.f32 v27, v26;
	v26 =	vmul.f32 v29, v29;
	v18 =	vld.idx.msk [tilespmem:v31+s22+$0x0], $0xffff  }
0xf1: {  	v27 =	vadd.f32 v20, v19;
	v23 =	vmul.f32 v23, v29;
	v20 =	vxor.u32 $0x14, v16;
	v19 =	vld.idx.msk [tilespmem:v31+s23+$0x0], $0xffff  }
.Ltmp0:
0xf2: {  	v25 =	vadd.f32 v26, v25;
	v28 =	vmul.f32 v32, v32;
	v26 =	vld.idx.msk [tilespmem:v24+s22+$0x0], $0xffff;
	(pc) =	sbr.rel @p3 .LBB2_3-.Ltmp0, $4  }
0xf3: {  	v27 =	vadd.f32 v23, v27;
	v29 =	vmul.f32 v21, v32;
	v23 =	vxor.u32 $0x15, v16;
	v21 =	vld.idx.msk [tilespmem:v24+s23+$0x0], $0xffff  }
0xf4: {  	v31 =	vadd.f32 v28, v25;
	v32 =	vmul.f32 v33, v33;
	v28 =	vld.idx.msk [tilespmem:v30+s22+$0x0], $0xffff  }
0xf5: {  	v24 =	vxor.u32 $0x16, v16;
	v25 =	vadd.f32 v29, v27;
	v27 =	vmul.f32 v22, v33;
	v22 =	vld.idx.msk [tilespmem:v30+s23+$0x0], $0xffff  }
0xf6: {  	s13 =	sadd.s32 $0x40, s13;
	v33 =	vadd.f32 v32, v31;
	v34 =	vmul.f32 v18, v18;
	v29 =	vld.idx.msk [tilespmem:v20+s22+$0x0], $0xffff  }
0xf7: {  	_ =	sdelay $0x2  }
0xf8: {  	v25 =	vadd.f32 v27, v25;
	v18 =	vmul.f32 v19, v18  }
0xf9: {  	v39 =	vld.idx.msk [tilespmem:v20+s23+$0x0], $0xffff;
	v40 =	vxor.u32 $0x17, v16  }
0xfa: {  	v35 =	vld.idx.msk [tilespmem:v23+s22+$0x0], $0xffff;
	v21 =	vmul.f32 v21, v26;
	v18 =	vadd.f32 v18, v25  }
0xfb: {  	v41 =	vld.idx.msk [tilespmem:v23+s23+$0x0], $0xffff;
	v17 =	vor.u32 v11, v17  }
0xfc: {  	v32 =	vld.idx.msk [tilespmem:v24+s22+$0x0], $0xffff;
	v42 =	vmul.f32 v22, v28;
	v18 =	vadd.f32 v21, v18  }
0xfd: {  	v43 =	vld.idx.msk [tilespmem:v24+s23+$0x0], $0xffff;
	v44 =	vxor.u32 $0x19, v16  }
0xfe: {  	v30 =	vld.idx.msk [tilespmem:v40+s22+$0x0], $0xffff;
	v19 =	vmul.f32 v39, v29;
	v18 =	vadd.f32 v42, v18  }
0xff: {  	v45 =	vxor.u32 $0x1A, v16;
	v20 =	vld.idx.msk [tilespmem:v40+s23+$0x0], $0xffff  }
0x100: {  	v27 =	vld.idx.msk [tilespmem:v17+s22+$0x0], $0xffff;
	v46 =	vmul.f32 v41, v35;
	v18 =	vadd.f32 v19, v18  }
0x101: {  	v31 =	vxor.u32 $0x1B, v16;
	v17 =	vld.idx.msk [tilespmem:v17+s23+$0x0], $0xffff  }
0x102: {  	v25 =	vld.idx.msk [tilespmem:v44+s22+$0x0], $0xffff;
	v47 =	vmul.f32 v43, v32;
	v18 =	vadd.f32 v46, v18  }
0x103: {  	v36 =	vxor.u32 $0x1C, v16;
	v48 =	vld.idx.msk [tilespmem:v44+s23+$0x0], $0xffff  }
0x104: {  	v24 =	vld.idx.msk [tilespmem:v45+s22+$0x0], $0xffff;
	v49 =	vmul.f32 v20, v30;
	v18 =	vadd.f32 v47, v18  }
0x105: {  	v38 =	vxor.u32 $0x1D, v16;
	v37 =	vld.idx.msk [tilespmem:v45+s23+$0x0], $0xffff  }
0x106: {  	v23 =	vld.idx.msk [tilespmem:v31+s22+$0x0], $0xffff;
	v17 =	vmul.f32 v17, v27;
	v18 =	vadd.f32 v49, v18  }
0x107: {  	v31 =	vld.idx.msk [tilespmem:v31+s23+$0x0], $0xffff;
	v39 =	vxor.u32 $0x1E, v16  }
0x108: {  	v21 =	vld.idx.msk [tilespmem:v36+s22+$0x0], $0xffff;
	v50 =	vmul.f32 v48, v25;
	v17 =	vadd.f32 v17, v18  }
0x109: {  	v52 =	vxor.u32 $0x1F, v16;
	v51 =	vld.idx.msk [tilespmem:v36+s23+$0x0], $0xffff  }
0x10a: {  	v54 =	vld.idx.msk [tilespmem:v38+s23+$0x0], $0xffff;
	v53 =	vmul.f32 v37, v24;
	v17 =	vadd.f32 v50, v17  }
0x10b: {  	v20 =	vld.idx.msk [tilespmem:v38+s22+$0x0], $0xffff  }
0x10c: {  	v19 =	vld.idx.msk [tilespmem:v39+s22+$0x0], $0xffff;
	v31 =	vmul.f32 v31, v23;
	v17 =	vadd.f32 v53, v17  }
0x10d: {  	v55 =	vld.idx.msk [tilespmem:v39+s23+$0x0], $0xffff  }
0x10e: {  	v16 =	vld.idx.msk [tilespmem:v52+s23+$0x0], $0xffff;
	v22 =	vmul.f32 v51, v21;
	v17 =	vadd.f32 v31, v17  }
0x10f: {  	v18 =	vld.idx.msk [tilespmem:v52+s22+$0x0], $0xffff  }
0x110: {  	s11 =	sadd.s32 $0x10, s11;
	v56 =	vmul.f32 v54, v20;
	v17 =	vadd.f32 v22, v17  }
0x111: {  	v57 =	vmov s11  }
0x112: {  	v58 =	vmul.f32 v55, v19;
	v31 =	vshll.u32 v57, $0x5;
	v17 =	vadd.f32 v56, v17  }
0x113: {  	v31 =	vor.u32 v1, v31  }
0x114: {  	v16 =	vmul.f32 v16, v18;
	v22 =	vor.u32 v0, v31;
	v17 =	vadd.f32 v58, v17  }
0x115: {  	v36 =	vor.u32 v2, v31  }
0x116: {  	v16 =	vadd.f32 v16, v17  }
0x117: {  	s19 =	sshra.s32 s19, $0x2;
	v37 =	vor.u32 v3, v31  }
0x118: {  	v17 =	vld.idx.msk [tilespmem:v14+s19+$0x0 ss:$0x1], $0xffff;
	[tilespmem:v15+s19+$0x0 ss:$0x1] =	vst.idx.msk $0xffff, v16  }
0x119: {  	v39 =	vor.u32 v4, v31;
	v38 =	vld.idx.msk [tilespmem:v22+s22+$0x0], $0xffff  }
0x11a: {  	v40 =	vld.idx.msk [tilespmem:v36+s22+$0x0], $0xffff  }
0x11b: {  	v41 =	vor.u32 v5, v31  }
0x11c: {  	v42 =	vld.idx.msk [tilespmem:v37+s22+$0x0], $0xffff  }
0x11d: {  	v43 =	vor.u32 v6, v31  }
0x11e: {  	v44 =	vld.idx.msk [tilespmem:v39+s22+$0x0], $0xffff  }
0x11f: {  	v46 =	vor.u32 v7, v31;
	v45 =	vmul.f32 v38, v38;
	v47 =	vmul.f32 v40, v40  }
0x120: {  	v49 =	vor.u32 v8, v31;
	v48 =	vld.idx.msk [tilespmem:v41+s22+$0x0], $0xffff  }
0x121: {  	v59 =	vmul.f32 v42, v42;
	v45 =	vadd.f32 v47, v45  }
0x122: {  	v51 =	vor.u32 v9, v31;
	v50 =	vld.idx.msk [tilespmem:v43+s22+$0x0], $0xffff  }
0x123: {  	v60 =	vmul.f32 v44, v44;
	v45 =	vadd.f32 v59, v45  }
0x124: {  	v53 =	vxor.u32 $0x9, v22;
	v52 =	vld.idx.msk [tilespmem:v46+s22+$0x0], $0xffff  }
0x125: {  	v54 =	vld.idx.msk [tilespmem:v49+s22+$0x0], $0xffff;
	v61 =	vmul.f32 v48, v48;
	v45 =	vadd.f32 v60, v45  }
0x126: {  	v63 =	vmul.f32 v26, v26;
	v33 =	vadd.f32 v34, v33;
	v55 =	vld.idx.msk [tilespmem:v22+s23+$0x0], $0xffff  }
0x127: {  	v56 =	vxor.u32 $0xA, v22;
	v34 =	vld.idx.msk [tilespmem:v51+s22+$0x0], $0xffff;
	v62 =	vmul.f32 v50, v50;
	v45 =	vadd.f32 v61, v45  }
0x128: {  	v26 =	vadd.f32 v63, v33;
	v36 =	vld.idx.msk [tilespmem:v36+s23+$0x0], $0xffff  }
0x129: {  	v57 =	vxor.u32 $0xB, v22;
	v33 =	vld.idx.msk [tilespmem:v53+s22+$0x0], $0xffff;
	v60 =	vmul.f32 v52, v52;
	v45 =	vadd.f32 v62, v45  }
0x12a: {  	v37 =	vld.idx.msk [tilespmem:v37+s23+$0x0], $0xffff;
	v61 =	vmul.f32 v28, v28  }
0x12b: {  	v58 =	vxor.u32 $0xC, v22;
	v39 =	vld.idx.msk [tilespmem:v39+s23+$0x0], $0xffff;
	v62 =	vmul.f32 v54, v54;
	v45 =	vadd.f32 v60, v45  }
0x12c: {  	v63 =	vmul.f32 v29, v29;
	v59 =	vmul.f32 v55, v38;
	v38 =	vld.idx.msk [tilespmem:v56+s22+$0x0], $0xffff;
	v26 =	vadd.f32 v61, v26  }
0x12d: {  	v47 =	vld.idx.msk [tilespmem:v49+s23+$0x0], $0xffff;
	v55 =	vxor.u32 $0xD, v22;
	v60 =	vmul.f32 v34, v34;
	v45 =	vadd.f32 v62, v45  }
0x12e: {  	v35 =	vmul.f32 v35, v35;
	v26 =	vadd.f32 v63, v26;
	v62 =	vmul.f32 v36, v40;
	v36 =	vld.idx.msk [tilespmem:v57+s22+$0x0], $0xffff  }
0x12f: {  	v63 =	vmul.f32 v33, v33;
	v40 =	vld.idx.msk [tilespmem:v41+s23+$0x0], $0xffff;
	v41 =	vxor.u32 $0xE, v22;
	v45 =	vadd.f32 v60, v45  }
0x130: {  	v32 =	vmul.f32 v32, v32;
	v61 =	vadd.f32 $0.0e+00, v59;
	v59 =	vmul.f32 v37, v42;
	v37 =	vld.idx.msk [tilespmem:v58+s22+$0x0], $0xffff  }
0x131: {  	v42 =	vld.idx.msk [tilespmem:v43+s23+$0x0], $0xffff;
	v43 =	vxor.u32 $0xF, v22;
	v60 =	vmul.f32 v38, v38;
	v45 =	vadd.f32 v63, v45  }
0x132: {  	v26 =	vadd.f32 v35, v26;
	v35 =	vld.idx.msk [tilespmem:v55+s22+$0x0], $0xffff;
	v28 =	vadd.f32 v62, v61;
	v61 =	vmul.f32 v39, v44  }
0x133: {  	v39 =	vld.idx.msk [tilespmem:v46+s23+$0x0], $0xffff;
	v44 =	vor.u32 v10, v31;
	v62 =	vmul.f32 v36, v36;
	v45 =	vadd.f32 v60, v45  }
0x134: {  	v30 =	vmul.f32 v30, v30;
	v28 =	vadd.f32 v59, v28;
	v63 =	vmul.f32 v40, v48;
	v40 =	vld.idx.msk [tilespmem:v41+s22+$0x0], $0xffff  }
0x135: {  	v58 =	vld.idx.msk [tilespmem:v58+s23+$0x0], $0xffff;
	v59 =	vmul.f32 v37, v37;
	v48 =	vxor.u32 $0x11, v22;
	v45 =	vadd.f32 v62, v45  }
0x136: {  	v49 =	vxor.u32 $0x12, v22;
	v26 =	vadd.f32 v32, v26;
	v32 =	vld.idx.msk [tilespmem:v43+s22+$0x0], $0xffff;
	v28 =	vadd.f32 v61, v28  }
0x137: {  	v60 =	vmul.f32 v42, v50;
	v42 =	vld.idx.msk [tilespmem:v51+s23+$0x0], $0xffff;
	v61 =	vmul.f32 v35, v35;
	v45 =	vadd.f32 v59, v45  }
0x138: {  	v51 =	vxor.u32 $0x13, v22;
	v28 =	vadd.f32 v63, v28;
	v62 =	vmul.f32 v39, v52;
	v39 =	vld.idx.msk [tilespmem:v44+s22+$0x0], $0xffff  }
0x139: {  	v50 =	vld.idx.msk [tilespmem:v53+s23+$0x0], $0xffff;
	v63 =	vmul.f32 v40, v40;
	v45 =	vadd.f32 v61, v45  }
0x13a: {  	v26 =	vadd.f32 v30, v26;
	v28 =	vadd.f32 v60, v28;
	v30 =	vld.idx.msk [tilespmem:v48+s22+$0x0], $0xffff  }
0x13b: {  	v52 =	vxor.u32 $0x14, v22;
	v60 =	vld.idx.msk [tilespmem:v56+s23+$0x0], $0xffff;
	v61 =	vmul.f32 v32, v32;
	v45 =	vadd.f32 v63, v45  }
0x13c: {  	v59 =	vmul.f32 v47, v54;
	v28 =	vadd.f32 v62, v28;
	v62 =	vmul.f32 v42, v34;
	v34 =	vld.idx.msk [tilespmem:v49+s22+$0x0], $0xffff  }
0x13d: {  	v53 =	vxor.u32 $0x15, v22;
	v29 =	vld.idx.msk [tilespmem:v51+s22+$0x0], $0xffff;
	v54 =	vmul.f32 v39, v39;
	v45 =	vadd.f32 v61, v45  }
0x13e: {  	v27 =	vmul.f32 v27, v27;
	v28 =	vadd.f32 v59, v28;
	v63 =	vld.idx.msk [tilespmem:v57+s23+$0x0], $0xffff;
	v57 =	vmul.f32 v50, v33  }
0x13f: {  	v50 =	vxor.u32 $0x16, v22;
	v59 =	vmul.f32 v30, v30;
	v45 =	vadd.f32 v54, v45  }
0x140: {  	v58 =	vmul.f32 v58, v37;
	v60 =	vmul.f32 v60, v38;
	v38 =	vld.idx.msk [tilespmem:v52+s22+$0x0], $0xffff;
	v56 =	vadd.f32 v62, v28  }
0x141: {  	v37 =	vld.idx.msk [tilespmem:v43+s23+$0x0], $0xffff;
	v61 =	vmul.f32 v34, v34;
	v54 =	vxor.u32 $0x17, v22;
	v45 =	vadd.f32 v59, v45  }
0x142: {  	v26 =	vadd.f32 v27, v26;
	v28 =	vld.idx.msk [tilespmem:v53+s22+$0x0], $0xffff;
	v27 =	vadd.f32 v57, v56  }
0x143: {  	v31 =	vor.u32 v11, v31;
	v47 =	vld.idx.msk [tilespmem:v55+s23+$0x0], $0xffff;
	v57 =	vmul.f32 v29, v29;
	v56 =	vadd.f32 v61, v45  }
0x144: {  	v25 =	vmul.f32 v25, v25;
	v63 =	vmul.f32 v63, v36;
	v33 =	vld.idx.msk [tilespmem:v50+s22+$0x0], $0xffff;
	v62 =	vadd.f32 v60, v27  }
0x145: {  	v43 =	vxor.u32 $0x19, v22;
	v55 =	vld.idx.msk [tilespmem:v41+s23+$0x0], $0xffff;
	v59 =	vmul.f32 v38, v38;
	v41 =	vadd.f32 v57, v56  }
0x146: {  	v24 =	vmul.f32 v24, v24;
	v25 =	vadd.f32 v25, v26;
	v26 =	vadd.f32 v63, v62;
	v27 =	vld.idx.msk [tilespmem:v54+s22+$0x0], $0xffff  }
0x147: {  	v62 =	vld.idx.msk [tilespmem:v44+s23+$0x0], $0xffff;
	v44 =	vxor.u32 $0x1A, v22;
	v63 =	vmul.f32 v28, v28;
	v41 =	vadd.f32 v59, v41  }
0x148: {  	v24 =	vadd.f32 v24, v25;
	v36 =	vld.idx.msk [tilespmem:v31+s22+$0x0], $0xffff;
	v61 =	vmul.f32 v47, v35;
	v60 =	vadd.f32 v58, v26  }
0x149: {  	v45 =	vxor.u32 $0x1B, v22;
	v56 =	vld.idx.msk [tilespmem:v48+s23+$0x0], $0xffff;
	v57 =	vmul.f32 v33, v33;
	v41 =	vadd.f32 v63, v41  }
0x14a: {  	v55 =	vmul.f32 v55, v40;
	v26 =	vld.idx.msk [tilespmem:v43+s22+$0x0], $0xffff;
	v25 =	vadd.f32 v61, v60;
	v59 =	vmul.f32 v37, v32  }
0x14b: {  	v60 =	vld.idx.msk [tilespmem:v49+s23+$0x0], $0xffff;
	v37 =	vxor.u32 $0x1C, v22;
	v61 =	vmul.f32 v27, v27;
	v41 =	vadd.f32 v57, v41  }
0x14c: {  	v23 =	vmul.f32 v23, v23;
	v21 =	vmul.f32 v21, v21;
	v35 =	vld.idx.msk [tilespmem:v44+s22+$0x0], $0xffff;
	v58 =	vadd.f32 v55, v25  }
0x14d: {  	v46 =	vxor.u32 $0x1D, v22;
	v48 =	vmul.f32 v36, v36;
	v63 =	vld.idx.msk [tilespmem:v51+s23+$0x0], $0xffff;
	v41 =	vadd.f32 v61, v41  }
0x14e: {  	v23 =	vadd.f32 v23, v24;
	v62 =	vmul.f32 v62, v39;
	v25 =	vld.idx.msk [tilespmem:v45+s22+$0x0], $0xffff;
	v24 =	vadd.f32 v59, v58  }
0x14f: {  	v40 =	vxor.u32 $0x1E, v22;
	v55 =	vmul.f32 v26, v26;
	v41 =	vadd.f32 v48, v41  }
0x150: {  	v21 =	vadd.f32 v21, v23;
	v51 =	vmul.f32 v56, v30;
	v32 =	vld.idx.msk [tilespmem:v37+s22+$0x0], $0xffff;
	v49 =	vadd.f32 v62, v24  }
0x151: {  	v52 =	vld.idx.msk [tilespmem:v52+s23+$0x0], $0xffff;
	v22 =	vxor.u32 $0x1F, v22;
	v58 =	vmul.f32 v35, v35;
	v41 =	vadd.f32 v55, v41  }
0x152: {  	v56 =	vmul.f32 v60, v34;
	v59 =	vmul.f32 v63, v29;
	v29 =	vld.idx.msk [tilespmem:v46+s22+$0x0], $0xffff;
	v23 =	vadd.f32 v51, v49  }
0x153: {  	v57 =	vld.idx.msk [tilespmem:v53+s23+$0x0], $0xffff;
	v62 =	vmul.f32 v25, v25;
	v61 =	vadd.f32 v58, v41  }
0x154: {  	v20 =	vmul.f32 v20, v20;
	v30 =	vld.idx.msk [tilespmem:v40+s22+$0x0], $0xffff;
	v23 =	vadd.f32 v56, v23  }
0x155: {  	v19 =	vmul.f32 v19, v19;
	v60 =	vld.idx.msk [tilespmem:v50+s23+$0x0], $0xffff;
	v48 =	vmul.f32 v32, v32;
	v39 =	vadd.f32 v62, v61  }
0x156: {  	v20 =	vadd.f32 v20, v21;
	v24 =	vld.idx.msk [tilespmem:v22+s22+$0x0], $0xffff;
	v63 =	vmul.f32 v52, v38;
	v23 =	vadd.f32 v59, v23  }
0x157: {  	v18 =	vmul.f32 v18, v18;
	v47 =	vld.idx.msk [tilespmem:v54+s23+$0x0], $0xffff;
	v52 =	vmul.f32 v29, v29;
	v51 =	vadd.f32 v48, v39  }
0x158: {  	v19 =	vadd.f32 v19, v20;
	v50 =	vmul.f32 v57, v28;
	v49 =	vadd.f32 v63, v23  }
0x159: {  	v53 =	vld.idx.msk [tilespmem:v31+s23+$0x0], $0xffff;
	v55 =	vmul.f32 v30, v30;
	v54 =	vadd.f32 v52, v51  }
0x15a: {  	v18 =	vadd.f32 v18, v19;
	v57 =	vld.idx.msk [tilespmem:v43+s23+$0x0], $0xffff;
	v21 =	vmul.f32 v60, v33;
	v20 =	vadd.f32 v50, v49  }
0x15b: {  	v58 =	vmul.f32 v24, v24;
	v19 =	vadd.f32 v55, v54  }
0x15c: {  	v18 =	vmax.f32 v18, $1.000000000e-30;
	v56 =	vmul.f32 v47, v27;
	v61 =	vld.idx.msk [tilespmem:v44+s23+$0x0], $0xffff;
	v20 =	vadd.f32 v21, v20  }
0x15d: {  	v60 =	vmul.f32 $5.000000000e-01, v18;
	v59 =	vshrl.u32 v18, $0x1;
	v19 =	vadd.f32 v58, v19  }
0x15e: {  	v23 =	vmul.f32 v53, v36;
	v63 =	vld.idx.msk [tilespmem:v45+s23+$0x0], $0xffff;
	v21 =	vsub.s32 $0x5F3759DF, v59;
	v20 =	vadd.f32 v56, v20  }
0x15f: {  	v41 =	vmul.f32 v57, v26;
	v62 =	vmul.f32 v21, v60;
	v19 =	vmax.f32 v19, $1.000000000e-30  }
0x160: {  	v44 =	vld.idx.msk [tilespmem:v37+s23+$0x0], $0xffff;
	v20 =	vadd.f32 v23, v20;
	v42 =	vshrl.u32 v19, $0x1;
	v43 =	vmul.f32 $5.000000000e-01, v19  }
0x161: {  	v45 =	vmul.f32 v61, v35;
	v26 =	vsub.s32 $0x5F3759DF, v42  }
0x162: {  	v48 =	vld.idx.msk [tilespmem:v46+s23+$0x0], $0xffff;
	v28 =	vmul.f32 v21, v62;
	v20 =	vadd.f32 v41, v20;
	v47 =	vmul.f32 v26, v43  }
0x163: {  	v49 =	vmul.f32 v63, v25  }
0x164: {  	v51 =	vld.idx.msk [tilespmem:v40+s23+$0x0], $0xffff;
	v28 =	vsub.f32 $1.500000000e+00, v28;
	v20 =	vadd.f32 v45, v20;
	v50 =	vmul.f32 v26, v47  }
0x165: {  	v52 =	vmul.f32 v44, v32  }
0x166: {  	v22 =	vld.idx.msk [tilespmem:v22+s23+$0x0], $0xffff;
	v21 =	vmul.f32 v21, v28;
	v20 =	vadd.f32 v49, v20;
	v25 =	vsub.f32 $1.500000000e+00, v50  }
0x167: {  	v54 =	vmul.f32 v48, v29  }
0x168: {  	v53 =	vmul.f32 v21, v60;
	v20 =	vadd.f32 v52, v20;
	v25 =	vmul.f32 v26, v25  }
0x169: {  	v56 =	vmul.f32 v51, v30  }
0x16a: {  	v55 =	vmul.f32 v53, v21;
	v20 =	vadd.f32 v54, v20;
	v57 =	vmul.f32 v25, v43  }
0x16b: {  	v22 =	vmul.f32 v22, v24  }
0x16c: {  	v26 =	vsub.f32 $1.500000000e+00, v55;
	v20 =	vadd.f32 v56, v20;
	v58 =	vmul.f32 v57, v25;
	_ =	sdelay $0x1  }
0x16d: {  	v21 =	vmul.f32 v26, v21;
	v20 =	vadd.f32 v22, v20;
	v59 =	vsub.f32 $1.500000000e+00, v58  }
0x16e: {  	s10 =	sshra.s32 s10, $0x2  }
0x16f: {  	p3 =	sne.s32 s3, $0x0;
	v14 =	vld.idx.msk [tilespmem:v14+s10+$0x0 ss:$0x1], $0xffff;
	v60 =	vmul.f32 v21, v60;
	[tilespmem:v15+s10+$0x0 ss:$0x1] =	vst.idx.msk $0xffff, v20;
	v15 =	vmul.f32 v59, v25  }
0x170: {  	s11 =	sshrl.u32 @!p3 s9, $0x3  }
0x171: {  	s13 =	simm.s32 @!p3 $0xD160;
	s10 =	sadd.s32 @!p3 s2, s11;
	s11 =	simm.s32 @!p3 $0x0;
	v61 =	vmul.f32 v60, v21;
	v62 =	vmul.f32 v15, v43  }
0x172: {  	[hbm4b:s10+s11] =	stream.linear.scatter @!p3 [tilespmem:s13], [sflag:$0x6], $0x190, $0x38;
	[tilespmem:$0xD4A0] =	vst v63  }
0x173: {  	s1 =	sadd.s32 $0x1, s1;
	s10 =	sshrl.u32 @p1 s9, $0x3;
	v22 =	vsub.f32 $1.500000000e+00, v61;
	v23 =	vmul.f32 v62, v15  }
0x174: {  	v16 =	vsub.f32 v17, v16;
	s11 =	simm.s32 @p1 $0x0;
	s13 =	simm.s32 @p1 $0xD2F0;
	s10 =	sadd.s32 @p1 s2, s10  }
0x175: {  	[hbm4b:s10+s11] =	stream.linear.scatter @p1 [tilespmem:s13], [sflag:$0x7], $0x190, $0x38;
	v21 =	vmul.f32 v22, v21;
	v63 =	vsub.f32 $1.500000000e+00, v23;
	[tilespmem:$0xD4A0] =	vst v63  }
0x176: {  	s3 =	smul.u32 @p2 $0x640, s3;
	v16 =	vmul.f32 v16, v16;
	p1 =	sne.s32 s1, $0x7D  }
.Ltmp1:
0x177: {  	v14 =	vsub.f32 v14, v20;
	v18 =	vmul.f32 v21, v18;
	v15 =	vmul.f32 v63, v15;
	(pc) =	sbr.rel @p1 .LBB2_2-.Ltmp1, $4  }
0x178: {  	v13 =	vadd.f32 v16, v13;
	s9 =	sshrl.u32 @p2 s9, $0x3  }
0x179: {  	p0 =	por !p0, !p0;
	s3 =	sshrl.u32 @p2 s3, $0x2;
	s9 =	sadd.s32 @p2 s0, s9;
	v14 =	vmul.f32 v14, v14;
	v12 =	vadd.f32 v18, v12;
	v15 =	vmul.f32 v15, v19  }
0x17a: {  	s3 =	sadd.s32 @p2 $0x640, s3;
	s9 =	sadd.s32 @p2 $0x64, s9;
	s10 =	simm.s32 @p2 $0x0  }
0x17b: {  	v13 =	vadd.f32 v14, v13;
	[tilespmem:s3], [sflag:$0x5] =	stream.linear.gather @p2 [hbm4b:s9+s10], $0x190, $0x38;
	v12 =	vadd.f32 v15, v12;
	[tilespmem:$0xD4A0] =	vst v63  }
0x17c: {  	_ =	swait.ge [sflag:s30], $0x190  }
0x17d: {  	[sflag:s30] =	ssyncset.done $0x0  }
0x17e: {  	[sflag:s30] =	ssyncadd.s32 $0xFFFFFE70  }
0x17f: {  	_ =	swait.ge [sflag:s31], $0x190  }
0x180: {  	[sflag:s31] =	ssyncset.done $0x0  }
0x181: {  	[sflag:s31] =	ssyncadd.s32 $0xFFFFFE70  }
0x182: {  	[tilespmem:$0xD480] =	vst v13  }
0x183: {  	s1 =	simm.s32 $0xD480;
	[tilespmem:$0xD490] =	vst v12  }
0x184: {  	[hbm4b:s16+s4] =	stream.linear.scatter [tilespmem:s1], [sflag:$0x8], $0x10, $0x38;
	[tilespmem:$0xD4A0] =	vst v63  }
0x185: {  	s20 =	sadd.s32 $0x1, s20;
	_ =	swait.ge [sflag:s25], $0x10  }
0x186: {  	p0 =	sne.s32 s20, s18;
	[sflag:s25] =	ssyncset.done $0x0  }
.Ltmp2:
0x187: {  	s19 =	simm.s32 $0xD490;
	[sflag:s25] =	ssyncadd.s32 $0xFFFFFFF0;
	(pc) =	sbr.rel @p0 .LBB2_1-.Ltmp2, $4  }
0x188: {  	[hbm4b:s17+s4] =	stream.linear.scatter [tilespmem:s19], [sflag:$0x8], $0x10, $0x38;
	[tilespmem:$0xD4A0] =	vst v63  }
0x189: {  	_ =	swait.ge [sflag:s25], $0x10  }
0x18a: {  	[sflag:s25] =	ssyncset.done $0x0  }
0x18b: {  	[sflag:s25] =	ssyncadd.s32 $0xFFFFFFF0  }
0x18c: {  	_ =	sfence.sel $0x180000  }
0x18d: {  	[bflag:$0x0] =	sbarrier.arrive $0xFFFF  }
0x18e: {  	_ =	strace $0x90000047  }
0x18f: {  	s0 =	stileid.u32;
	[bflag:$0x2] =	sbarrier.arrive $0xFFFF  }
0x190: {  	p0 =	sne.s32 s0, $0x0;
	s0 =	rddreg [dreg:$0x3]  }
0x191: {  	s0 =	sadd.s32 @!p0 $0x100000, s0  }
0x192: {  	[sflag:s0] =	ssyncadd.tile.s32 @!p0 $0x1;
	_ =	shalt  }
.Lfunc_end2:
_tile_overlayer_lowered:
.L_overlay_start_2:
0x193: {  	(tag) =	ssettag $0x2  }
0x194: {  	s0 =	rddreg [dreg:$0x0];
	s2 =	stileid.u32  }
0x195: {  	s1 =	rddreg [dreg:$0x1];
	p0 =	sne.s32 s2, $0x0  }
0x196: {  	s3 =	rddreg [dreg:$0x2];
	[bflag:$0x3] =	sbarrier.arrive $0xFFFF;
	s2 =	simm.s32 @!p0 $0x1C08  }
0x197: {  	[timem:s3], [sflag:s2] =	dma.local @!p0 [hbm:s0], s1  }
0x198: {  	s0 =	simm.s32 @!p0 $0x8  }
0x199: {  	_ =	swait.ge @!p0 [sflag:s0], s1  }
0x19a: {  	s1 =	ssub.s32 @!p0 $0x0, s1;
	[sflag:s0] =	ssyncset.done @!p0 $0x0  }
0x19b: {  	[sflag:s0] =	ssyncadd.s32 @!p0 s1  }
0x19c: {  	[bflag:$0x3] =	sbarrier.arrive $0xFFFF  }
0x19d: {  	_ =	shalt  }

</sc_bundles>
